<compile_context>
chip_gen: v7x
topology: tpu7x:2x2x1
jax: 0.10.2.dev20260603
libtpu: 0.0.44.dev20260713+nightly
codegen_flags: <defaults>
</compile_context>

<pallas_src>
import dataclasses
import functools

import jax
import jax.numpy as jnp
from jax import lax
from jax.experimental import pallas as pl
from jax.experimental.pallas import tpu as pltpu
from jax.experimental.pallas import tpu_sc as plsc

DIM = 64
MAX_T = 72
LANES = 16
NC, NS = 2, 16
NW = NC * NS
K = 4


def _transpose_emb(time_emb):

    def body(e_ref, o_ref):
        o_ref[...] = jnp.transpose(e_ref[...], (1, 0))

    return pl.pallas_call(
        body,
        out_shape=jax.ShapeDtypeStruct((DIM, MAX_T), jnp.float32),
    )(time_emb)


def _transpose_x(x):
    B, L = x.shape
    BLK = 512

    def body(x_ref, o_ref):
        o_ref[...] = jnp.transpose(x_ref[...], (1, 0))

    return pl.pallas_call(
        body,
        grid=(B // BLK,),
        in_specs=[pl.BlockSpec((BLK, L), lambda i: (i, 0))],
        out_specs=pl.BlockSpec((L, BLK), lambda i: (0, i)),
        out_shape=jax.ShapeDtypeStruct((L, B), jnp.int32),
    )(x)


def kernel(x, time_emb):
    B, L = x.shape
    SLAB = B // NW
    NB16 = SLAB // LANES

    emb_t_flat = _transpose_emb(time_emb).reshape(DIM * MAX_T)
    xt = _transpose_x(x)

    mesh = plsc.VectorSubcoreMesh(core_axis_name="c", subcore_axis_name="s")

    cp = pltpu.CompilerParams()
    if "needs_layout_passes" in pltpu.CompilerParams.__dataclass_fields__:
        cp = dataclasses.replace(cp, needs_layout_passes=False)

    @functools.partial(
        pl.kernel,
        mesh=mesh,
        compiler_params=cp,
        out_type=jax.ShapeDtypeStruct((L, DIM, B), jnp.float32),
        scratch_types=[
            pltpu.VMEM((DIM * MAX_T,), jnp.float32),
            pltpu.VMEM((L, SLAB), jnp.int32),
            pltpu.VMEM((K, DIM, SLAB), jnp.float32),
        ]
        + [pltpu.SemaphoreType.DMA] * K,
    )
    def k(tab_hbm, xt_hbm, out_hbm, tab_v, raw_v, plane_v, *osems):
        wid = lax.axis_index("s") * NC + lax.axis_index("c")
        b0 = wid * SLAB

        pltpu.sync_copy(tab_hbm, tab_v)
        pltpu.sync_copy(xt_hbm.at[:, pl.ds(b0, SLAB)], raw_v)

        @pl.loop(0, L, step=K)
        def _(l0):
            for p in range(K):
                l = l0 + p

                @pl.when(l0 != 0)
                def _():
                    pltpu.make_async_copy(
                        plane_v.at[p],
                        out_hbm.at[l - K, :, pl.ds(b0, SLAB)],
                        osems[p],
                    ).wait()

                @plsc.parallel_loop(0, NB16, 1, unroll=2)
                def _(q):
                    idx16 = raw_v[l, pl.ds(q * LANES, LANES)]
                    c = jnp.minimum(jnp.maximum(idx16, 0), MAX_T - 1)

                    @plsc.parallel_loop(0, DIM, 1, unroll=16, carry=c)
                    def _(d, pos):
                        plane_v[p, d, pl.ds(q * LANES, LANES)] = (
                            plsc.load_gather(tab_v, [pos])
                        )
                        return pos + MAX_T

                pltpu.async_copy(
                    plane_v.at[p],
                    out_hbm.at[l, :, pl.ds(b0, SLAB)],
                    osems[p],
                )

        for p in range(K):
            pltpu.make_async_copy(
                plane_v.at[p],
                out_hbm.at[L - K + p, :, pl.ds(b0, SLAB)],
                osems[p],
            ).wait()

    out = k(emb_t_flat, xt)
    return jnp.transpose(out, (2, 0, 1))

# --- scband reference (transcript-rebuilt; emitter-appended) ---
"""Pipeline reference for scband-learnable-pos-emb-58918361366674 (READ-ONLY COPY).

The authoritative reference and input builder live on the scoring server;
editing this copy changes nothing except your own understanding.
"""

import jax, jax.numpy as jnp
import numpy as np

DIM = 64
MAX_T = 72
B, L = 4096, 200

def setup_inputs(seed: int = 0) -> dict:
    key = jax.random.key(seed)
    k1, k2 = jax.random.split(key)
    x = jax.random.randint(k1, (B, L), 0, MAX_T, dtype=jnp.int32)
    time_emb = jax.random.normal(k2, (MAX_T, DIM), dtype=jnp.float32)
    return {"x": x, "time_emb": time_emb}

def reference(x, time_emb):
    # time_indices = clamp(x.long(), 0, len(time_emb)-1)
    idx = jnp.clip(x.astype(jnp.int32), 0, time_emb.shape[0] - 1)
    # return time_emb[time_indices]  -> gather along axis 0
    return jnp.take(time_emb, idx, axis=0)

if __name__ == "__main__":
    import jax
    _d = setup_inputs()
    print(jax.jit(kernel)(*tuple(_d.values())))

</pallas_src>

<mosaic_0001>
#map = affine_map<(d0, d1) -> (0)>
#map1 = affine_map<(d0, d1) -> (0, 0)>
#map2 = affine_map<(d0, d1) -> (0, 0, 0)>
module attributes {stable_mosaic.version = 14 : i64} {
  func.func @k(%arg0: i32, %arg1: i32, %arg2: memref<4608xf32, #tpu.memory_space<hbm>>, %arg3: memref<200x4096xi32, #tpu.memory_space<hbm>>, %arg4: memref<200x64x4096xf32, #tpu.memory_space<hbm>>, %arg5: memref<4608xf32, #tpu.memory_space<vmem>>, %arg6: memref<200x128xi32, #tpu.memory_space<vmem>>, %arg7: memref<4x64x128xf32, #tpu.memory_space<vmem>>, %arg8: memref<!tpu.dma_semaphore, #tpu.memory_space<semaphore_mem>>, %arg9: memref<!tpu.dma_semaphore, #tpu.memory_space<semaphore_mem>>, %arg10: memref<!tpu.dma_semaphore, #tpu.memory_space<semaphore_mem>>, %arg11: memref<!tpu.dma_semaphore, #tpu.memory_space<semaphore_mem>>) attributes {dimension_semantics = [#tpu.dimension_semantics<core_parallel>, #tpu.dimension_semantics<subcore_parallel>], iteration_bounds = array<i64: 2, 16>, scalar_prefetch = 0 : i64, scratch_operands = 7 : i64, tpu.core_type = #tpu.core_type<sc_vector_subcore>, window_params = [{transform_indices = #map}, {transform_indices = #map1}, {transform_indices = #map2}]} {
    %mul3A = arith.constant 2 : i32
    %mul3A_0 = arith.muli %arg1, %mul3A : i32
    %add3A = arith.addi %mul3A_0, %arg0 : i32
    %mul3A_1 = arith.constant 128 : i32
    %mul3A_2 = arith.muli %add3A, %mul3A_1 : i32
    "tpu.region"() ({
      %run_scoped3A = tpu.sem_alloc : memref<!tpu.dma_semaphore, #tpu.memory_space<semaphore_mem>>
      tpu.enqueue_dma source(%arg2 : memref<4608xf32, #tpu.memory_space<hbm>>) target(%arg5 : memref<4608xf32, #tpu.memory_space<vmem>>) target_semaphore(%run_scoped3A : memref<!tpu.dma_semaphore, #tpu.memory_space<semaphore_mem>>)
      tpu.wait_dma2 semaphore(%run_scoped3A : memref<!tpu.dma_semaphore, #tpu.memory_space<semaphore_mem>>) src(%arg2 : memref<4608xf32, #tpu.memory_space<hbm>>) dst(%arg5 : memref<4608xf32, #tpu.memory_space<vmem>>)
      tpu.yield
    }) : () -> ()
    "tpu.region"() ({
      %run_scoped3A = tpu.sem_alloc : memref<!tpu.dma_semaphore, #tpu.memory_space<semaphore_mem>>
      %dma_start3A = arith.constant 0 : i32
      %dma_start3A_70 = tpu.memref_slice %arg3[%dma_start3A, %mul3A_2] : memref<200x4096xi32, #tpu.memory_space<hbm>> -> memref<200x128xi32, #tpu.memory_space<hbm>>
      %dma_start3A_71 = arith.constant 0 : i32
      %dma_start3A_72 = tpu.memref_slice %arg3[%dma_start3A_71, %mul3A_2] : memref<200x4096xi32, #tpu.memory_space<hbm>> -> memref<200x128xi32, #tpu.memory_space<hbm>>
      tpu.enqueue_dma source(%dma_start3A_72 : memref<200x128xi32, #tpu.memory_space<hbm>>) target(%arg6 : memref<200x128xi32, #tpu.memory_space<vmem>>) target_semaphore(%run_scoped3A : memref<!tpu.dma_semaphore, #tpu.memory_space<semaphore_mem>>)
      %dma_wait3A_73 = arith.constant 0 : i32
      %dma_wait3A_74 = tpu.memref_slice %arg3[%dma_wait3A_73, %mul3A_2] : memref<200x4096xi32, #tpu.memory_space<hbm>> -> memref<200x128xi32, #tpu.memory_space<hbm>>
      %dma_wait3A_75 = arith.constant 0 : i32
      %dma_wait3A_76 = tpu.memref_slice %arg3[%dma_wait3A_75, %mul3A_2] : memref<200x4096xi32, #tpu.memory_space<hbm>> -> memref<200x128xi32, #tpu.memory_space<hbm>>
      tpu.wait_dma2 semaphore(%run_scoped3A : memref<!tpu.dma_semaphore, #tpu.memory_space<semaphore_mem>>) src(%dma_wait3A_76 : memref<200x128xi32, #tpu.memory_space<hbm>>) dst(%arg6 : memref<200x128xi32, #tpu.memory_space<vmem>>)
      tpu.yield
    }) : () -> ()
    %scan3A = arith.constant 0 : i32
    %scan3A_3 = arith.constant 50 : i32
    %scan3A_4 = arith.addi %scan3A, %scan3A_3 : i32
    %scan3A_5 = arith.constant 1 : i32
    scf.for %scan3A_70 = %scan3A to %scan3A_4 step %scan3A_5  : i32 {
      %mul3A_71 = arith.constant 4 : i32
      %mul3A_72 = arith.muli %scan3A_70, %mul3A_71 : i32
      %add3A_73 = arith.constant 0 : i32
      %add3A_74 = arith.addi %add3A_73, %mul3A_72 : i32
      %add3A_75 = arith.constant 0 : i32
      %add3A_76 = arith.addi %add3A_74, %add3A_75 : i32
      %ne3A = arith.constant 0 : i32
      %ne3A_77 = arith.cmpi ne, %add3A_74, %ne3A : i32
      %convert_element_type3A = arith.extui %ne3A_77 : i1 to i32
      %cond3A = arith.constant 0 : i32
      %cond3A_78 = arith.cmpi ne, %convert_element_type3A, %cond3A : i32
      scf.if %cond3A_78 {
        %sub3A = arith.constant 4 : i32
        %sub3A_170 = arith.subi %add3A_76, %sub3A : i32
        %dma_wait3A_171 = arith.constant 0 : i32
        %dma_wait3A_172 = arith.constant 0 : i32
        %dma_wait3A_173 = arith.constant 0 : i32
        %dma_wait3A_174 = tpu.memref_slice %arg7[%dma_wait3A_171, %dma_wait3A_172, %dma_wait3A_173] : memref<4x64x128xf32, #tpu.memory_space<vmem>> -> memref<1x64x128xf32, #tpu.memory_space<vmem>>
        %dma_wait3A_175 = tpu.memref_squeeze %dma_wait3A_174 : memref<1x64x128xf32, #tpu.memory_space<vmem>> -> memref<64x128xf32, #tpu.memory_space<vmem>>
        %dma_wait3A_176 = arith.constant 0 : i32
        %dma_wait3A_177 = tpu.memref_slice %arg4[%sub3A_170, %dma_wait3A_176, %mul3A_2] : memref<200x64x4096xf32, #tpu.memory_space<hbm>> -> memref<1x64x128xf32, #tpu.memory_space<hbm>>
        %dma_wait3A_178 = tpu.memref_squeeze %dma_wait3A_177 : memref<1x64x128xf32, #tpu.memory_space<hbm>> -> memref<64x128xf32, #tpu.memory_space<hbm>>
        %dma_wait3A_179 = arith.constant 0 : i32
        %dma_wait3A_180 = tpu.memref_slice %arg4[%sub3A_170, %dma_wait3A_179, %mul3A_2] : memref<200x64x4096xf32, #tpu.memory_space<hbm>> -> memref<1x64x128xf32, #tpu.memory_space<hbm>>
        %dma_wait3A_181 = tpu.memref_squeeze %dma_wait3A_180 : memref<1x64x128xf32, #tpu.memory_space<hbm>> -> memref<64x128xf32, #tpu.memory_space<hbm>>
        %dma_wait3A_182 = arith.constant 0 : i32
        %dma_wait3A_183 = arith.constant 0 : i32
        %dma_wait3A_184 = tpu.memref_slice %arg7[%dma_wait3A_171, %dma_wait3A_182, %dma_wait3A_183] : memref<4x64x128xf32, #tpu.memory_space<vmem>> -> memref<1x64x128xf32, #tpu.memory_space<vmem>>
        %dma_wait3A_185 = tpu.memref_squeeze %dma_wait3A_184 : memref<1x64x128xf32, #tpu.memory_space<vmem>> -> memref<64x128xf32, #tpu.memory_space<vmem>>
        tpu.wait_dma2 semaphore(%arg8 : memref<!tpu.dma_semaphore, #tpu.memory_space<semaphore_mem>>) src(%dma_wait3A_185 : memref<64x128xf32, #tpu.memory_space<vmem>>) dst(%dma_wait3A_181 : memref<64x128xf32, #tpu.memory_space<hbm>>)
      } else {
      }
      %parallel_loop3A = arith.constant 0 : i32
      %parallel_loop3A_79 = arith.constant 8 : i32
      %parallel_loop3A_80 = arith.constant 1 : i32
      scf.for %parallel_loop3A_170 = %parallel_loop3A to %parallel_loop3A_79 step %parallel_loop3A_80  : i32 {
        %parallel_loop3A_171 = arith.constant 16 : i32
        %parallel_loop3A_172 = arith.muli %parallel_loop3A_170, %parallel_loop3A_171 : i32
        %parallel_loop3A_173 = arith.index_cast %add3A_76 : i32 to index
        %parallel_loop3A_174 = arith.index_cast %parallel_loop3A_172 : i32 to index
        %parallel_loop3A_175 = tpu.vector_load %arg6[%parallel_loop3A_173, %parallel_loop3A_174] {strides = array<i32>} : memref<200x128xi32, #tpu.memory_space<vmem>>, vector<16xi32>,
        %parallel_loop3A_176 = arith.constant 0 : i32
        %parallel_loop3A_177 = vector.broadcast %parallel_loop3A_176 : i32 to vector<16xi32>
        %parallel_loop3A_178 = arith.maxsi %parallel_loop3A_175, %parallel_loop3A_177 : vector<16xi32>
        %parallel_loop3A_179 = arith.constant 71 : i32
        %parallel_loop3A_180 = vector.broadcast %parallel_loop3A_179 : i32 to vector<16xi32>
        %parallel_loop3A_181 = arith.minsi %parallel_loop3A_178, %parallel_loop3A_180 : vector<16xi32>
        %parallel_loop3A_182 = arith.constant 0 : i32
        %parallel_loop3A_183 = arith.constant 64 : i32
        %parallel_loop3A_184 = arith.constant 1 : i32
        %parallel_loop3A_185 = scf.for %parallel_loop3A_186 = %parallel_loop3A_182 to %parallel_loop3A_183 step %parallel_loop3A_184 iter_args(%parallel_loop3A_187 = %parallel_loop3A_181) -> (vector<16xi32>)  : i32 {
          %parallel_loop3A_188 = tpu.vector_load_idx %arg5[%parallel_loop3A_187] : memref<4608xf32, #tpu.memory_space<vmem>>[vector<16xi32>], vector<16xf32>,
          %parallel_loop3A_189 = arith.constant 16 : i32
          %parallel_loop3A_190 = arith.muli %parallel_loop3A_170, %parallel_loop3A_189 : i32
          %parallel_loop3A_191 = arith.constant 0 : i32
          %parallel_loop3A_192 = arith.index_cast %parallel_loop3A_191 : i32 to index
          %parallel_loop3A_193 = arith.index_cast %parallel_loop3A_186 : i32 to index
          %parallel_loop3A_194 = arith.index_cast %parallel_loop3A_190 : i32 to index
          %parallel_loop3A_195 = tpu.vector_load %arg7[%parallel_loop3A_192, %parallel_loop3A_193, %parallel_loop3A_194] {strides = array<i32>} : memref<4x64x128xf32, #tpu.memory_space<vmem>>, vector<16xf32>,
          tpu.vector_store %arg7[%parallel_loop3A_192, %parallel_loop3A_193, %parallel_loop3A_194], %parallel_loop3A_188 {strides = array<i32>} : memref<4x64x128xf32, #tpu.memory_space<vmem>>, vector<16xf32>,
          %parallel_loop3A_196 = arith.constant 72 : i32
          %parallel_loop3A_197 = vector.broadcast %parallel_loop3A_196 : i32 to vector<16xi32>
          %parallel_loop3A_198 = arith.addi %parallel_loop3A_187, %parallel_loop3A_197 : vector<16xi32>
          scf.yield %parallel_loop3A_198 : vector<16xi32>
        } {sc.loop_unroll_factor = 16 : i64, sc.parallel_access}
      } {sc.loop_unroll_factor = 2 : i64, sc.parallel_access}
      %dma_start3A = arith.constant 0 : i32
      %dma_start3A_81 = arith.constant 0 : i32
      %dma_start3A_82 = arith.constant 0 : i32
      %dma_start3A_83 = tpu.memref_slice %arg7[%dma_start3A, %dma_start3A_81, %dma_start3A_82] : memref<4x64x128xf32, #tpu.memory_space<vmem>> -> memref<1x64x128xf32, #tpu.memory_space<vmem>>
      %dma_start3A_84 = tpu.memref_squeeze %dma_start3A_83 : memref<1x64x128xf32, #tpu.memory_space<vmem>> -> memref<64x128xf32, #tpu.memory_space<vmem>>
      %dma_start3A_85 = arith.constant 0 : i32
      %dma_start3A_86 = tpu.memref_slice %arg4[%add3A_76, %dma_start3A_85, %mul3A_2] : memref<200x64x4096xf32, #tpu.memory_space<hbm>> -> memref<1x64x128xf32, #tpu.memory_space<hbm>>
      %dma_start3A_87 = tpu.memref_squeeze %dma_start3A_86 : memref<1x64x128xf32, #tpu.memory_space<hbm>> -> memref<64x128xf32, #tpu.memory_space<hbm>>
      %dma_start3A_88 = arith.constant 0 : i32
      %dma_start3A_89 = tpu.memref_slice %arg4[%add3A_76, %dma_start3A_88, %mul3A_2] : memref<200x64x4096xf32, #tpu.memory_space<hbm>> -> memref<1x64x128xf32, #tpu.memory_space<hbm>>
      %dma_start3A_90 = tpu.memref_squeeze %dma_start3A_89 : memref<1x64x128xf32, #tpu.memory_space<hbm>> -> memref<64x128xf32, #tpu.memory_space<hbm>>
      %dma_start3A_91 = arith.constant 0 : i32
      %dma_start3A_92 = arith.constant 0 : i32
      %dma_start3A_93 = tpu.memref_slice %arg7[%dma_start3A, %dma_start3A_91, %dma_start3A_92] : memref<4x64x128xf32, #tpu.memory_space<vmem>> -> memref<1x64x128xf32, #tpu.memory_space<vmem>>
      %dma_start3A_94 = tpu.memref_squeeze %dma_start3A_93 : memref<1x64x128xf32, #tpu.memory_space<vmem>> -> memref<64x128xf32, #tpu.memory_space<vmem>>
      tpu.enqueue_dma source(%dma_start3A_94 : memref<64x128xf32, #tpu.memory_space<vmem>>) target(%dma_start3A_90 : memref<64x128xf32, #tpu.memory_space<hbm>>) target_semaphore(%arg8 : memref<!tpu.dma_semaphore, #tpu.memory_space<semaphore_mem>>)
      %add3A_95 = arith.constant 1 : i32
      %add3A_96 = arith.addi %add3A_74, %add3A_95 : i32
      %ne3A_97 = arith.constant 0 : i32
      %ne3A_98 = arith.cmpi ne, %add3A_74, %ne3A_97 : i32
      %convert_element_type3A_99 = arith.extui %ne3A_98 : i1 to i32
      %cond3A_100 = arith.constant 0 : i32
      %cond3A_101 = arith.cmpi ne, %convert_element_type3A_99, %cond3A_100 : i32
      scf.if %cond3A_101 {
        %sub3A = arith.constant 4 : i32
        %sub3A_170 = arith.subi %add3A_96, %sub3A : i32
        %dma_wait3A_171 = arith.constant 1 : i32
        %dma_wait3A_172 = arith.constant 0 : i32
        %dma_wait3A_173 = arith.constant 0 : i32
        %dma_wait3A_174 = tpu.memref_slice %arg7[%dma_wait3A_171, %dma_wait3A_172, %dma_wait3A_173] : memref<4x64x128xf32, #tpu.memory_space<vmem>> -> memref<1x64x128xf32, #tpu.memory_space<vmem>>
        %dma_wait3A_175 = tpu.memref_squeeze %dma_wait3A_174 : memref<1x64x128xf32, #tpu.memory_space<vmem>> -> memref<64x128xf32, #tpu.memory_space<vmem>>
        %dma_wait3A_176 = arith.constant 0 : i32
        %dma_wait3A_177 = tpu.memref_slice %arg4[%sub3A_170, %dma_wait3A_176, %mul3A_2] : memref<200x64x4096xf32, #tpu.memory_space<hbm>> -> memref<1x64x128xf32, #tpu.memory_space<hbm>>
        %dma_wait3A_178 = tpu.memref_squeeze %dma_wait3A_177 : memref<1x64x128xf32, #tpu.memory_space<hbm>> -> memref<64x128xf32, #tpu.memory_space<hbm>>
        %dma_wait3A_179 = arith.constant 0 : i32
        %dma_wait3A_180 = tpu.memref_slice %arg4[%sub3A_170, %dma_wait3A_179, %mul3A_2] : memref<200x64x4096xf32, #tpu.memory_space<hbm>> -> memref<1x64x128xf32, #tpu.memory_space<hbm>>
        %dma_wait3A_181 = tpu.memref_squeeze %dma_wait3A_180 : memref<1x64x128xf32, #tpu.memory_space<hbm>> -> memref<64x128xf32, #tpu.memory_space<hbm>>
        %dma_wait3A_182 = arith.constant 0 : i32
        %dma_wait3A_183 = arith.constant 0 : i32
        %dma_wait3A_184 = tpu.memref_slice %arg7[%dma_wait3A_171, %dma_wait3A_182, %dma_wait3A_183] : memref<4x64x128xf32, #tpu.memory_space<vmem>> -> memref<1x64x128xf32, #tpu.memory_space<vmem>>
        %dma_wait3A_185 = tpu.memref_squeeze %dma_wait3A_184 : memref<1x64x128xf32, #tpu.memory_space<vmem>> -> memref<64x128xf32, #tpu.memory_space<vmem>>
        tpu.wait_dma2 semaphore(%arg9 : memref<!tpu.dma_semaphore, #tpu.memory_space<semaphore_mem>>) src(%dma_wait3A_185 : memref<64x128xf32, #tpu.memory_space<vmem>>) dst(%dma_wait3A_181 : memref<64x128xf32, #tpu.memory_space<hbm>>)
      } else {
      }
      %parallel_loop3A_102 = arith.constant 0 : i32
      %parallel_loop3A_103 = arith.constant 8 : i32
      %parallel_loop3A_104 = arith.constant 1 : i32
      scf.for %parallel_loop3A_170 = %parallel_loop3A_102 to %parallel_loop3A_103 step %parallel_loop3A_104  : i32 {
        %parallel_loop3A_171 = arith.constant 16 : i32
        %parallel_loop3A_172 = arith.muli %parallel_loop3A_170, %parallel_loop3A_171 : i32
        %parallel_loop3A_173 = arith.index_cast %add3A_96 : i32 to index
        %parallel_loop3A_174 = arith.index_cast %parallel_loop3A_172 : i32 to index
        %parallel_loop3A_175 = tpu.vector_load %arg6[%parallel_loop3A_173, %parallel_loop3A_174] {strides = array<i32>} : memref<200x128xi32, #tpu.memory_space<vmem>>, vector<16xi32>,
        %parallel_loop3A_176 = arith.constant 0 : i32
        %parallel_loop3A_177 = vector.broadcast %parallel_loop3A_176 : i32 to vector<16xi32>
        %parallel_loop3A_178 = arith.maxsi %parallel_loop3A_175, %parallel_loop3A_177 : vector<16xi32>
        %parallel_loop3A_179 = arith.constant 71 : i32
        %parallel_loop3A_180 = vector.broadcast %parallel_loop3A_179 : i32 to vector<16xi32>
        %parallel_loop3A_181 = arith.minsi %parallel_loop3A_178, %parallel_loop3A_180 : vector<16xi32>
        %parallel_loop3A_182 = arith.constant 0 : i32
        %parallel_loop3A_183 = arith.constant 64 : i32
        %parallel_loop3A_184 = arith.constant 1 : i32
        %parallel_loop3A_185 = scf.for %parallel_loop3A_186 = %parallel_loop3A_182 to %parallel_loop3A_183 step %parallel_loop3A_184 iter_args(%parallel_loop3A_187 = %parallel_loop3A_181) -> (vector<16xi32>)  : i32 {
          %parallel_loop3A_188 = tpu.vector_load_idx %arg5[%parallel_loop3A_187] : memref<4608xf32, #tpu.memory_space<vmem>>[vector<16xi32>], vector<16xf32>,
          %parallel_loop3A_189 = arith.constant 16 : i32
          %parallel_loop3A_190 = arith.muli %parallel_loop3A_170, %parallel_loop3A_189 : i32
          %parallel_loop3A_191 = arith.constant 1 : i32
          %parallel_loop3A_192 = arith.index_cast %parallel_loop3A_191 : i32 to index
          %parallel_loop3A_193 = arith.index_cast %parallel_loop3A_186 : i32 to index
          %parallel_loop3A_194 = arith.index_cast %parallel_loop3A_190 : i32 to index
          %parallel_loop3A_195 = tpu.vector_load %arg7[%parallel_loop3A_192, %parallel_loop3A_193, %parallel_loop3A_194] {strides = array<i32>} : memref<4x64x128xf32, #tpu.memory_space<vmem>>, vector<16xf32>,
          tpu.vector_store %arg7[%parallel_loop3A_192, %parallel_loop3A_193, %parallel_loop3A_194], %parallel_loop3A_188 {strides = array<i32>} : memref<4x64x128xf32, #tpu.memory_space<vmem>>, vector<16xf32>,
          %parallel_loop3A_196 = arith.constant 72 : i32
          %parallel_loop3A_197 = vector.broadcast %parallel_loop3A_196 : i32 to vector<16xi32>
          %parallel_loop3A_198 = arith.addi %parallel_loop3A_187, %parallel_loop3A_197 : vector<16xi32>
          scf.yield %parallel_loop3A_198 : vector<16xi32>
        } {sc.loop_unroll_factor = 16 : i64, sc.parallel_access}
      } {sc.loop_unroll_factor = 2 : i64, sc.parallel_access}
      %dma_start3A_105 = arith.constant 1 : i32
      %dma_start3A_106 = arith.constant 0 : i32
      %dma_start3A_107 = arith.constant 0 : i32
      %dma_start3A_108 = tpu.memref_slice %arg7[%dma_start3A_105, %dma_start3A_106, %dma_start3A_107] : memref<4x64x128xf32, #tpu.memory_space<vmem>> -> memref<1x64x128xf32, #tpu.memory_space<vmem>>
      %dma_start3A_109 = tpu.memref_squeeze %dma_start3A_108 : memref<1x64x128xf32, #tpu.memory_space<vmem>> -> memref<64x128xf32, #tpu.memory_space<vmem>>
      %dma_start3A_110 = arith.constant 0 : i32
      %dma_start3A_111 = tpu.memref_slice %arg4[%add3A_96, %dma_start3A_110, %mul3A_2] : memref<200x64x4096xf32, #tpu.memory_space<hbm>> -> memref<1x64x128xf32, #tpu.memory_space<hbm>>
      %dma_start3A_112 = tpu.memref_squeeze %dma_start3A_111 : memref<1x64x128xf32, #tpu.memory_space<hbm>> -> memref<64x128xf32, #tpu.memory_space<hbm>>
      %dma_start3A_113 = arith.constant 0 : i32
      %dma_start3A_114 = tpu.memref_slice %arg4[%add3A_96, %dma_start3A_113, %mul3A_2] : memref<200x64x4096xf32, #tpu.memory_space<hbm>> -> memref<1x64x128xf32, #tpu.memory_space<hbm>>
      %dma_start3A_115 = tpu.memref_squeeze %dma_start3A_114 : memref<1x64x128xf32, #tpu.memory_space<hbm>> -> memref<64x128xf32, #tpu.memory_space<hbm>>
      %dma_start3A_116 = arith.constant 0 : i32
      %dma_start3A_117 = arith.constant 0 : i32
      %dma_start3A_118 = tpu.memref_slice %arg7[%dma_start3A_105, %dma_start3A_116, %dma_start3A_117] : memref<4x64x128xf32, #tpu.memory_space<vmem>> -> memref<1x64x128xf32, #tpu.memory_space<vmem>>
      %dma_start3A_119 = tpu.memref_squeeze %dma_start3A_118 : memref<1x64x128xf32, #tpu.memory_space<vmem>> -> memref<64x128xf32, #tpu.memory_space<vmem>>
      tpu.enqueue_dma source(%dma_start3A_119 : memref<64x128xf32, #tpu.memory_space<vmem>>) target(%dma_start3A_115 : memref<64x128xf32, #tpu.memory_space<hbm>>) target_semaphore(%arg9 : memref<!tpu.dma_semaphore, #tpu.memory_space<semaphore_mem>>)
      %add3A_120 = arith.constant 2 : i32
      %add3A_121 = arith.addi %add3A_74, %add3A_120 : i32
      %ne3A_122 = arith.constant 0 : i32
      %ne3A_123 = arith.cmpi ne, %add3A_74, %ne3A_122 : i32
      %convert_element_type3A_124 = arith.extui %ne3A_123 : i1 to i32
      %cond3A_125 = arith.constant 0 : i32
      %cond3A_126 = arith.cmpi ne, %convert_element_type3A_124, %cond3A_125 : i32
      scf.if %cond3A_126 {
        %sub3A = arith.constant 4 : i32
        %sub3A_170 = arith.subi %add3A_121, %sub3A : i32
        %dma_wait3A_171 = arith.constant 2 : i32
        %dma_wait3A_172 = arith.constant 0 : i32
        %dma_wait3A_173 = arith.constant 0 : i32
        %dma_wait3A_174 = tpu.memref_slice %arg7[%dma_wait3A_171, %dma_wait3A_172, %dma_wait3A_173] : memref<4x64x128xf32, #tpu.memory_space<vmem>> -> memref<1x64x128xf32, #tpu.memory_space<vmem>>
        %dma_wait3A_175 = tpu.memref_squeeze %dma_wait3A_174 : memref<1x64x128xf32, #tpu.memory_space<vmem>> -> memref<64x128xf32, #tpu.memory_space<vmem>>
        %dma_wait3A_176 = arith.constant 0 : i32
        %dma_wait3A_177 = tpu.memref_slice %arg4[%sub3A_170, %dma_wait3A_176, %mul3A_2] : memref<200x64x4096xf32, #tpu.memory_space<hbm>> -> memref<1x64x128xf32, #tpu.memory_space<hbm>>
        %dma_wait3A_178 = tpu.memref_squeeze %dma_wait3A_177 : memref<1x64x128xf32, #tpu.memory_space<hbm>> -> memref<64x128xf32, #tpu.memory_space<hbm>>
        %dma_wait3A_179 = arith.constant 0 : i32
        %dma_wait3A_180 = tpu.memref_slice %arg4[%sub3A_170, %dma_wait3A_179, %mul3A_2] : memref<200x64x4096xf32, #tpu.memory_space<hbm>> -> memref<1x64x128xf32, #tpu.memory_space<hbm>>
        %dma_wait3A_181 = tpu.memref_squeeze %dma_wait3A_180 : memref<1x64x128xf32, #tpu.memory_space<hbm>> -> memref<64x128xf32, #tpu.memory_space<hbm>>
        %dma_wait3A_182 = arith.constant 0 : i32
        %dma_wait3A_183 = arith.constant 0 : i32
        %dma_wait3A_184 = tpu.memref_slice %arg7[%dma_wait3A_171, %dma_wait3A_182, %dma_wait3A_183] : memref<4x64x128xf32, #tpu.memory_space<vmem>> -> memref<1x64x128xf32, #tpu.memory_space<vmem>>
        %dma_wait3A_185 = tpu.memref_squeeze %dma_wait3A_184 : memref<1x64x128xf32, #tpu.memory_space<vmem>> -> memref<64x128xf32, #tpu.memory_space<vmem>>
        tpu.wait_dma2 semaphore(%arg10 : memref<!tpu.dma_semaphore, #tpu.memory_space<semaphore_mem>>) src(%dma_wait3A_185 : memref<64x128xf32, #tpu.memory_space<vmem>>) dst(%dma_wait3A_181 : memref<64x128xf32, #tpu.memory_space<hbm>>)
      } else {
      }
      %parallel_loop3A_127 = arith.constant 0 : i32
      %parallel_loop3A_128 = arith.constant 8 : i32
      %parallel_loop3A_129 = arith.constant 1 : i32
      scf.for %parallel_loop3A_170 = %parallel_loop3A_127 to %parallel_loop3A_128 step %parallel_loop3A_129  : i32 {
        %parallel_loop3A_171 = arith.constant 16 : i32
        %parallel_loop3A_172 = arith.muli %parallel_loop3A_170, %parallel_loop3A_171 : i32
        %parallel_loop3A_173 = arith.index_cast %add3A_121 : i32 to index
        %parallel_loop3A_174 = arith.index_cast %parallel_loop3A_172 : i32 to index
        %parallel_loop3A_175 = tpu.vector_load %arg6[%parallel_loop3A_173, %parallel_loop3A_174] {strides = array<i32>} : memref<200x128xi32, #tpu.memory_space<vmem>>, vector<16xi32>,
        %parallel_loop3A_176 = arith.constant 0 : i32
        %parallel_loop3A_177 = vector.broadcast %parallel_loop3A_176 : i32 to vector<16xi32>
        %parallel_loop3A_178 = arith.maxsi %parallel_loop3A_175, %parallel_loop3A_177 : vector<16xi32>
        %parallel_loop3A_179 = arith.constant 71 : i32
        %parallel_loop3A_180 = vector.broadcast %parallel_loop3A_179 : i32 to vector<16xi32>
        %parallel_loop3A_181 = arith.minsi %parallel_loop3A_178, %parallel_loop3A_180 : vector<16xi32>
        %parallel_loop3A_182 = arith.constant 0 : i32
        %parallel_loop3A_183 = arith.constant 64 : i32
        %parallel_loop3A_184 = arith.constant 1 : i32
        %parallel_loop3A_185 = scf.for %parallel_loop3A_186 = %parallel_loop3A_182 to %parallel_loop3A_183 step %parallel_loop3A_184 iter_args(%parallel_loop3A_187 = %parallel_loop3A_181) -> (vector<16xi32>)  : i32 {
          %parallel_loop3A_188 = tpu.vector_load_idx %arg5[%parallel_loop3A_187] : memref<4608xf32, #tpu.memory_space<vmem>>[vector<16xi32>], vector<16xf32>,
          %parallel_loop3A_189 = arith.constant 16 : i32
          %parallel_loop3A_190 = arith.muli %parallel_loop3A_170, %parallel_loop3A_189 : i32
          %parallel_loop3A_191 = arith.constant 2 : i32
          %parallel_loop3A_192 = arith.index_cast %parallel_loop3A_191 : i32 to index
          %parallel_loop3A_193 = arith.index_cast %parallel_loop3A_186 : i32 to index
          %parallel_loop3A_194 = arith.index_cast %parallel_loop3A_190 : i32 to index
          %parallel_loop3A_195 = tpu.vector_load %arg7[%parallel_loop3A_192, %parallel_loop3A_193, %parallel_loop3A_194] {strides = array<i32>} : memref<4x64x128xf32, #tpu.memory_space<vmem>>, vector<16xf32>,
          tpu.vector_store %arg7[%parallel_loop3A_192, %parallel_loop3A_193, %parallel_loop3A_194], %parallel_loop3A_188 {strides = array<i32>} : memref<4x64x128xf32, #tpu.memory_space<vmem>>, vector<16xf32>,
          %parallel_loop3A_196 = arith.constant 72 : i32
          %parallel_loop3A_197 = vector.broadcast %parallel_loop3A_196 : i32 to vector<16xi32>
          %parallel_loop3A_198 = arith.addi %parallel_loop3A_187, %parallel_loop3A_197 : vector<16xi32>
          scf.yield %parallel_loop3A_198 : vector<16xi32>
        } {sc.loop_unroll_factor = 16 : i64, sc.parallel_access}
      } {sc.loop_unroll_factor = 2 : i64, sc.parallel_access}
      %dma_start3A_130 = arith.constant 2 : i32
      %dma_start3A_131 = arith.constant 0 : i32
      %dma_start3A_132 = arith.constant 0 : i32
      %dma_start3A_133 = tpu.memref_slice %arg7[%dma_start3A_130, %dma_start3A_131, %dma_start3A_132] : memref<4x64x128xf32, #tpu.memory_space<vmem>> -> memref<1x64x128xf32, #tpu.memory_space<vmem>>
      %dma_start3A_134 = tpu.memref_squeeze %dma_start3A_133 : memref<1x64x128xf32, #tpu.memory_space<vmem>> -> memref<64x128xf32, #tpu.memory_space<vmem>>
      %dma_start3A_135 = arith.constant 0 : i32
      %dma_start3A_136 = tpu.memref_slice %arg4[%add3A_121, %dma_start3A_135, %mul3A_2] : memref<200x64x4096xf32, #tpu.memory_space<hbm>> -> memref<1x64x128xf32, #tpu.memory_space<hbm>>
      %dma_start3A_137 = tpu.memref_squeeze %dma_start3A_136 : memref<1x64x128xf32, #tpu.memory_space<hbm>> -> memref<64x128xf32, #tpu.memory_space<hbm>>
      %dma_start3A_138 = arith.constant 0 : i32
      %dma_start3A_139 = tpu.memref_slice %arg4[%add3A_121, %dma_start3A_138, %mul3A_2] : memref<200x64x4096xf32, #tpu.memory_space<hbm>> -> memref<1x64x128xf32, #tpu.memory_space<hbm>>
      %dma_start3A_140 = tpu.memref_squeeze %dma_start3A_139 : memref<1x64x128xf32, #tpu.memory_space<hbm>> -> memref<64x128xf32, #tpu.memory_space<hbm>>
      %dma_start3A_141 = arith.constant 0 : i32
      %dma_start3A_142 = arith.constant 0 : i32
      %dma_start3A_143 = tpu.memref_slice %arg7[%dma_start3A_130, %dma_start3A_141, %dma_start3A_142] : memref<4x64x128xf32, #tpu.memory_space<vmem>> -> memref<1x64x128xf32, #tpu.memory_space<vmem>>
      %dma_start3A_144 = tpu.memref_squeeze %dma_start3A_143 : memref<1x64x128xf32, #tpu.memory_space<vmem>> -> memref<64x128xf32, #tpu.memory_space<vmem>>
      tpu.enqueue_dma source(%dma_start3A_144 : memref<64x128xf32, #tpu.memory_space<vmem>>) target(%dma_start3A_140 : memref<64x128xf32, #tpu.memory_space<hbm>>) target_semaphore(%arg10 : memref<!tpu.dma_semaphore, #tpu.memory_space<semaphore_mem>>)
      %add3A_145 = arith.constant 3 : i32
      %add3A_146 = arith.addi %add3A_74, %add3A_145 : i32
      %ne3A_147 = arith.constant 0 : i32
      %ne3A_148 = arith.cmpi ne, %add3A_74, %ne3A_147 : i32
      %convert_element_type3A_149 = arith.extui %ne3A_148 : i1 to i32
      %cond3A_150 = arith.constant 0 : i32
      %cond3A_151 = arith.cmpi ne, %convert_element_type3A_149, %cond3A_150 : i32
      scf.if %cond3A_151 {
        %sub3A = arith.constant 4 : i32
        %sub3A_170 = arith.subi %add3A_146, %sub3A : i32
        %dma_wait3A_171 = arith.constant 3 : i32
        %dma_wait3A_172 = arith.constant 0 : i32
        %dma_wait3A_173 = arith.constant 0 : i32
        %dma_wait3A_174 = tpu.memref_slice %arg7[%dma_wait3A_171, %dma_wait3A_172, %dma_wait3A_173] : memref<4x64x128xf32, #tpu.memory_space<vmem>> -> memref<1x64x128xf32, #tpu.memory_space<vmem>>
        %dma_wait3A_175 = tpu.memref_squeeze %dma_wait3A_174 : memref<1x64x128xf32, #tpu.memory_space<vmem>> -> memref<64x128xf32, #tpu.memory_space<vmem>>
        %dma_wait3A_176 = arith.constant 0 : i32
        %dma_wait3A_177 = tpu.memref_slice %arg4[%sub3A_170, %dma_wait3A_176, %mul3A_2] : memref<200x64x4096xf32, #tpu.memory_space<hbm>> -> memref<1x64x128xf32, #tpu.memory_space<hbm>>
        %dma_wait3A_178 = tpu.memref_squeeze %dma_wait3A_177 : memref<1x64x128xf32, #tpu.memory_space<hbm>> -> memref<64x128xf32, #tpu.memory_space<hbm>>
        %dma_wait3A_179 = arith.constant 0 : i32
        %dma_wait3A_180 = tpu.memref_slice %arg4[%sub3A_170, %dma_wait3A_179, %mul3A_2] : memref<200x64x4096xf32, #tpu.memory_space<hbm>> -> memref<1x64x128xf32, #tpu.memory_space<hbm>>
        %dma_wait3A_181 = tpu.memref_squeeze %dma_wait3A_180 : memref<1x64x128xf32, #tpu.memory_space<hbm>> -> memref<64x128xf32, #tpu.memory_space<hbm>>
        %dma_wait3A_182 = arith.constant 0 : i32
        %dma_wait3A_183 = arith.constant 0 : i32
        %dma_wait3A_184 = tpu.memref_slice %arg7[%dma_wait3A_171, %dma_wait3A_182, %dma_wait3A_183] : memref<4x64x128xf32, #tpu.memory_space<vmem>> -> memref<1x64x128xf32, #tpu.memory_space<vmem>>
        %dma_wait3A_185 = tpu.memref_squeeze %dma_wait3A_184 : memref<1x64x128xf32, #tpu.memory_space<vmem>> -> memref<64x128xf32, #tpu.memory_space<vmem>>
        tpu.wait_dma2 semaphore(%arg11 : memref<!tpu.dma_semaphore, #tpu.memory_space<semaphore_mem>>) src(%dma_wait3A_185 : memref<64x128xf32, #tpu.memory_space<vmem>>) dst(%dma_wait3A_181 : memref<64x128xf32, #tpu.memory_space<hbm>>)
      } else {
      }
      %parallel_loop3A_152 = arith.constant 0 : i32
      %parallel_loop3A_153 = arith.constant 8 : i32
      %parallel_loop3A_154 = arith.constant 1 : i32
      scf.for %parallel_loop3A_170 = %parallel_loop3A_152 to %parallel_loop3A_153 step %parallel_loop3A_154  : i32 {
        %parallel_loop3A_171 = arith.constant 16 : i32
        %parallel_loop3A_172 = arith.muli %parallel_loop3A_170, %parallel_loop3A_171 : i32
        %parallel_loop3A_173 = arith.index_cast %add3A_146 : i32 to index
        %parallel_loop3A_174 = arith.index_cast %parallel_loop3A_172 : i32 to index
        %parallel_loop3A_175 = tpu.vector_load %arg6[%parallel_loop3A_173, %parallel_loop3A_174] {strides = array<i32>} : memref<200x128xi32, #tpu.memory_space<vmem>>, vector<16xi32>,
        %parallel_loop3A_176 = arith.constant 0 : i32
        %parallel_loop3A_177 = vector.broadcast %parallel_loop3A_176 : i32 to vector<16xi32>
        %parallel_loop3A_178 = arith.maxsi %parallel_loop3A_175, %parallel_loop3A_177 : vector<16xi32>
        %parallel_loop3A_179 = arith.constant 71 : i32
        %parallel_loop3A_180 = vector.broadcast %parallel_loop3A_179 : i32 to vector<16xi32>
        %parallel_loop3A_181 = arith.minsi %parallel_loop3A_178, %parallel_loop3A_180 : vector<16xi32>
        %parallel_loop3A_182 = arith.constant 0 : i32
        %parallel_loop3A_183 = arith.constant 64 : i32
        %parallel_loop3A_184 = arith.constant 1 : i32
        %parallel_loop3A_185 = scf.for %parallel_loop3A_186 = %parallel_loop3A_182 to %parallel_loop3A_183 step %parallel_loop3A_184 iter_args(%parallel_loop3A_187 = %parallel_loop3A_181) -> (vector<16xi32>)  : i32 {
          %parallel_loop3A_188 = tpu.vector_load_idx %arg5[%parallel_loop3A_187] : memref<4608xf32, #tpu.memory_space<vmem>>[vector<16xi32>], vector<16xf32>,
          %parallel_loop3A_189 = arith.constant 16 : i32
          %parallel_loop3A_190 = arith.muli %parallel_loop3A_170, %parallel_loop3A_189 : i32
          %parallel_loop3A_191 = arith.constant 3 : i32
          %parallel_loop3A_192 = arith.index_cast %parallel_loop3A_191 : i32 to index
          %parallel_loop3A_193 = arith.index_cast %parallel_loop3A_186 : i32 to index
          %parallel_loop3A_194 = arith.index_cast %parallel_loop3A_190 : i32 to index
          %parallel_loop3A_195 = tpu.vector_load %arg7[%parallel_loop3A_192, %parallel_loop3A_193, %parallel_loop3A_194] {strides = array<i32>} : memref<4x64x128xf32, #tpu.memory_space<vmem>>, vector<16xf32>,
          tpu.vector_store %arg7[%parallel_loop3A_192, %parallel_loop3A_193, %parallel_loop3A_194], %parallel_loop3A_188 {strides = array<i32>} : memref<4x64x128xf32, #tpu.memory_space<vmem>>, vector<16xf32>,
          %parallel_loop3A_196 = arith.constant 72 : i32
          %parallel_loop3A_197 = vector.broadcast %parallel_loop3A_196 : i32 to vector<16xi32>
          %parallel_loop3A_198 = arith.addi %parallel_loop3A_187, %parallel_loop3A_197 : vector<16xi32>
          scf.yield %parallel_loop3A_198 : vector<16xi32>
        } {sc.loop_unroll_factor = 16 : i64, sc.parallel_access}
      } {sc.loop_unroll_factor = 2 : i64, sc.parallel_access}
      %dma_start3A_155 = arith.constant 3 : i32
      %dma_start3A_156 = arith.constant 0 : i32
      %dma_start3A_157 = arith.constant 0 : i32
      %dma_start3A_158 = tpu.memref_slice %arg7[%dma_start3A_155, %dma_start3A_156, %dma_start3A_157] : memref<4x64x128xf32, #tpu.memory_space<vmem>> -> memref<1x64x128xf32, #tpu.memory_space<vmem>>
      %dma_start3A_159 = tpu.memref_squeeze %dma_start3A_158 : memref<1x64x128xf32, #tpu.memory_space<vmem>> -> memref<64x128xf32, #tpu.memory_space<vmem>>
      %dma_start3A_160 = arith.constant 0 : i32
      %dma_start3A_161 = tpu.memref_slice %arg4[%add3A_146, %dma_start3A_160, %mul3A_2] : memref<200x64x4096xf32, #tpu.memory_space<hbm>> -> memref<1x64x128xf32, #tpu.memory_space<hbm>>
      %dma_start3A_162 = tpu.memref_squeeze %dma_start3A_161 : memref<1x64x128xf32, #tpu.memory_space<hbm>> -> memref<64x128xf32, #tpu.memory_space<hbm>>
      %dma_start3A_163 = arith.constant 0 : i32
      %dma_start3A_164 = tpu.memref_slice %arg4[%add3A_146, %dma_start3A_163, %mul3A_2] : memref<200x64x4096xf32, #tpu.memory_space<hbm>> -> memref<1x64x128xf32, #tpu.memory_space<hbm>>
      %dma_start3A_165 = tpu.memref_squeeze %dma_start3A_164 : memref<1x64x128xf32, #tpu.memory_space<hbm>> -> memref<64x128xf32, #tpu.memory_space<hbm>>
      %dma_start3A_166 = arith.constant 0 : i32
      %dma_start3A_167 = arith.constant 0 : i32
      %dma_start3A_168 = tpu.memref_slice %arg7[%dma_start3A_155, %dma_start3A_166, %dma_start3A_167] : memref<4x64x128xf32, #tpu.memory_space<vmem>> -> memref<1x64x128xf32, #tpu.memory_space<vmem>>
      %dma_start3A_169 = tpu.memref_squeeze %dma_start3A_168 : memref<1x64x128xf32, #tpu.memory_space<vmem>> -> memref<64x128xf32, #tpu.memory_space<vmem>>
      tpu.enqueue_dma source(%dma_start3A_169 : memref<64x128xf32, #tpu.memory_space<vmem>>) target(%dma_start3A_165 : memref<64x128xf32, #tpu.memory_space<hbm>>) target_semaphore(%arg11 : memref<!tpu.dma_semaphore, #tpu.memory_space<semaphore_mem>>)
    }
    %scan3A_6 = arith.constant 50 : i32
    %dma_wait3A = arith.constant 0 : i32
    %dma_wait3A_7 = arith.constant 196 : i32
    %dma_wait3A_8 = arith.constant 0 : i32
    %dma_wait3A_9 = arith.constant 0 : i32
    %dma_wait3A_10 = tpu.memref_slice %arg7[%dma_wait3A, %dma_wait3A_8, %dma_wait3A_9] : memref<4x64x128xf32, #tpu.memory_space<vmem>> -> memref<1x64x128xf32, #tpu.memory_space<vmem>>
    %dma_wait3A_11 = tpu.memref_squeeze %dma_wait3A_10 : memref<1x64x128xf32, #tpu.memory_space<vmem>> -> memref<64x128xf32, #tpu.memory_space<vmem>>
    %dma_wait3A_12 = arith.constant 0 : i32
    %dma_wait3A_13 = tpu.memref_slice %arg4[%dma_wait3A_7, %dma_wait3A_12, %mul3A_2] : memref<200x64x4096xf32, #tpu.memory_space<hbm>> -> memref<1x64x128xf32, #tpu.memory_space<hbm>>
    %dma_wait3A_14 = tpu.memref_squeeze %dma_wait3A_13 : memref<1x64x128xf32, #tpu.memory_space<hbm>> -> memref<64x128xf32, #tpu.memory_space<hbm>>
    %dma_wait3A_15 = arith.constant 0 : i32
    %dma_wait3A_16 = tpu.memref_slice %arg4[%dma_wait3A_7, %dma_wait3A_15, %mul3A_2] : memref<200x64x4096xf32, #tpu.memory_space<hbm>> -> memref<1x64x128xf32, #tpu.memory_space<hbm>>
    %dma_wait3A_17 = tpu.memref_squeeze %dma_wait3A_16 : memref<1x64x128xf32, #tpu.memory_space<hbm>> -> memref<64x128xf32, #tpu.memory_space<hbm>>
    %dma_wait3A_18 = arith.constant 0 : i32
    %dma_wait3A_19 = arith.constant 0 : i32
    %dma_wait3A_20 = tpu.memref_slice %arg7[%dma_wait3A, %dma_wait3A_18, %dma_wait3A_19] : memref<4x64x128xf32, #tpu.memory_space<vmem>> -> memref<1x64x128xf32, #tpu.memory_space<vmem>>
    %dma_wait3A_21 = tpu.memref_squeeze %dma_wait3A_20 : memref<1x64x128xf32, #tpu.memory_space<vmem>> -> memref<64x128xf32, #tpu.memory_space<vmem>>
    tpu.wait_dma2 semaphore(%arg8 : memref<!tpu.dma_semaphore, #tpu.memory_space<semaphore_mem>>) src(%dma_wait3A_21 : memref<64x128xf32, #tpu.memory_space<vmem>>) dst(%dma_wait3A_17 : memref<64x128xf32, #tpu.memory_space<hbm>>)
    %dma_wait3A_22 = arith.constant 1 : i32
    %dma_wait3A_23 = arith.constant 197 : i32
    %dma_wait3A_24 = arith.constant 0 : i32
    %dma_wait3A_25 = arith.constant 0 : i32
    %dma_wait3A_26 = tpu.memref_slice %arg7[%dma_wait3A_22, %dma_wait3A_24, %dma_wait3A_25] : memref<4x64x128xf32, #tpu.memory_space<vmem>> -> memref<1x64x128xf32, #tpu.memory_space<vmem>>
    %dma_wait3A_27 = tpu.memref_squeeze %dma_wait3A_26 : memref<1x64x128xf32, #tpu.memory_space<vmem>> -> memref<64x128xf32, #tpu.memory_space<vmem>>
    %dma_wait3A_28 = arith.constant 0 : i32
    %dma_wait3A_29 = tpu.memref_slice %arg4[%dma_wait3A_23, %dma_wait3A_28, %mul3A_2] : memref<200x64x4096xf32, #tpu.memory_space<hbm>> -> memref<1x64x128xf32, #tpu.memory_space<hbm>>
    %dma_wait3A_30 = tpu.memref_squeeze %dma_wait3A_29 : memref<1x64x128xf32, #tpu.memory_space<hbm>> -> memref<64x128xf32, #tpu.memory_space<hbm>>
    %dma_wait3A_31 = arith.constant 0 : i32
    %dma_wait3A_32 = tpu.memref_slice %arg4[%dma_wait3A_23, %dma_wait3A_31, %mul3A_2] : memref<200x64x4096xf32, #tpu.memory_space<hbm>> -> memref<1x64x128xf32, #tpu.memory_space<hbm>>
    %dma_wait3A_33 = tpu.memref_squeeze %dma_wait3A_32 : memref<1x64x128xf32, #tpu.memory_space<hbm>> -> memref<64x128xf32, #tpu.memory_space<hbm>>
    %dma_wait3A_34 = arith.constant 0 : i32
    %dma_wait3A_35 = arith.constant 0 : i32
    %dma_wait3A_36 = tpu.memref_slice %arg7[%dma_wait3A_22, %dma_wait3A_34, %dma_wait3A_35] : memref<4x64x128xf32, #tpu.memory_space<vmem>> -> memref<1x64x128xf32, #tpu.memory_space<vmem>>
    %dma_wait3A_37 = tpu.memref_squeeze %dma_wait3A_36 : memref<1x64x128xf32, #tpu.memory_space<vmem>> -> memref<64x128xf32, #tpu.memory_space<vmem>>
    tpu.wait_dma2 semaphore(%arg9 : memref<!tpu.dma_semaphore, #tpu.memory_space<semaphore_mem>>) src(%dma_wait3A_37 : memref<64x128xf32, #tpu.memory_space<vmem>>) dst(%dma_wait3A_33 : memref<64x128xf32, #tpu.memory_space<hbm>>)
    %dma_wait3A_38 = arith.constant 2 : i32
    %dma_wait3A_39 = arith.constant 198 : i32
    %dma_wait3A_40 = arith.constant 0 : i32
    %dma_wait3A_41 = arith.constant 0 : i32
    %dma_wait3A_42 = tpu.memref_slice %arg7[%dma_wait3A_38, %dma_wait3A_40, %dma_wait3A_41] : memref<4x64x128xf32, #tpu.memory_space<vmem>> -> memref<1x64x128xf32, #tpu.memory_space<vmem>>
    %dma_wait3A_43 = tpu.memref_squeeze %dma_wait3A_42 : memref<1x64x128xf32, #tpu.memory_space<vmem>> -> memref<64x128xf32, #tpu.memory_space<vmem>>
    %dma_wait3A_44 = arith.constant 0 : i32
    %dma_wait3A_45 = tpu.memref_slice %arg4[%dma_wait3A_39, %dma_wait3A_44, %mul3A_2] : memref<200x64x4096xf32, #tpu.memory_space<hbm>> -> memref<1x64x128xf32, #tpu.memory_space<hbm>>
    %dma_wait3A_46 = tpu.memref_squeeze %dma_wait3A_45 : memref<1x64x128xf32, #tpu.memory_space<hbm>> -> memref<64x128xf32, #tpu.memory_space<hbm>>
    %dma_wait3A_47 = arith.constant 0 : i32
    %dma_wait3A_48 = tpu.memref_slice %arg4[%dma_wait3A_39, %dma_wait3A_47, %mul3A_2] : memref<200x64x4096xf32, #tpu.memory_space<hbm>> -> memref<1x64x128xf32, #tpu.memory_space<hbm>>
    %dma_wait3A_49 = tpu.memref_squeeze %dma_wait3A_48 : memref<1x64x128xf32, #tpu.memory_space<hbm>> -> memref<64x128xf32, #tpu.memory_space<hbm>>
    %dma_wait3A_50 = arith.constant 0 : i32
    %dma_wait3A_51 = arith.constant 0 : i32
    %dma_wait3A_52 = tpu.memref_slice %arg7[%dma_wait3A_38, %dma_wait3A_50, %dma_wait3A_51] : memref<4x64x128xf32, #tpu.memory_space<vmem>> -> memref<1x64x128xf32, #tpu.memory_space<vmem>>
    %dma_wait3A_53 = tpu.memref_squeeze %dma_wait3A_52 : memref<1x64x128xf32, #tpu.memory_space<vmem>> -> memref<64x128xf32, #tpu.memory_space<vmem>>
    tpu.wait_dma2 semaphore(%arg10 : memref<!tpu.dma_semaphore, #tpu.memory_space<semaphore_mem>>) src(%dma_wait3A_53 : memref<64x128xf32, #tpu.memory_space<vmem>>) dst(%dma_wait3A_49 : memref<64x128xf32, #tpu.memory_space<hbm>>)
    %dma_wait3A_54 = arith.constant 3 : i32
    %dma_wait3A_55 = arith.constant 199 : i32
    %dma_wait3A_56 = arith.constant 0 : i32
    %dma_wait3A_57 = arith.constant 0 : i32
    %dma_wait3A_58 = tpu.memref_slice %arg7[%dma_wait3A_54, %dma_wait3A_56, %dma_wait3A_57] : memref<4x64x128xf32, #tpu.memory_space<vmem>> -> memref<1x64x128xf32, #tpu.memory_space<vmem>>
    %dma_wait3A_59 = tpu.memref_squeeze %dma_wait3A_58 : memref<1x64x128xf32, #tpu.memory_space<vmem>> -> memref<64x128xf32, #tpu.memory_space<vmem>>
    %dma_wait3A_60 = arith.constant 0 : i32
    %dma_wait3A_61 = tpu.memref_slice %arg4[%dma_wait3A_55, %dma_wait3A_60, %mul3A_2] : memref<200x64x4096xf32, #tpu.memory_space<hbm>> -> memref<1x64x128xf32, #tpu.memory_space<hbm>>
    %dma_wait3A_62 = tpu.memref_squeeze %dma_wait3A_61 : memref<1x64x128xf32, #tpu.memory_space<hbm>> -> memref<64x128xf32, #tpu.memory_space<hbm>>
    %dma_wait3A_63 = arith.constant 0 : i32
    %dma_wait3A_64 = tpu.memref_slice %arg4[%dma_wait3A_55, %dma_wait3A_63, %mul3A_2] : memref<200x64x4096xf32, #tpu.memory_space<hbm>> -> memref<1x64x128xf32, #tpu.memory_space<hbm>>
    %dma_wait3A_65 = tpu.memref_squeeze %dma_wait3A_64 : memref<1x64x128xf32, #tpu.memory_space<hbm>> -> memref<64x128xf32, #tpu.memory_space<hbm>>
    %dma_wait3A_66 = arith.constant 0 : i32
    %dma_wait3A_67 = arith.constant 0 : i32
    %dma_wait3A_68 = tpu.memref_slice %arg7[%dma_wait3A_54, %dma_wait3A_66, %dma_wait3A_67] : memref<4x64x128xf32, #tpu.memory_space<vmem>> -> memref<1x64x128xf32, #tpu.memory_space<vmem>>
    %dma_wait3A_69 = tpu.memref_squeeze %dma_wait3A_68 : memref<1x64x128xf32, #tpu.memory_space<vmem>> -> memref<64x128xf32, #tpu.memory_space<vmem>>
    tpu.wait_dma2 semaphore(%arg11 : memref<!tpu.dma_semaphore, #tpu.memory_space<semaphore_mem>>) src(%dma_wait3A_69 : memref<64x128xf32, #tpu.memory_space<vmem>>) dst(%dma_wait3A_65 : memref<64x128xf32, #tpu.memory_space<hbm>>)
    return
  }
}

module attributes {stable_mosaic.version = 14 : i64} {
  func.func @body(%arg0: memref<72x64xf32, #tpu.memory_space<vmem>>, %arg1: memref<64x72xf32, #tpu.memory_space<vmem>>) attributes {dimension_semantics = [], scalar_prefetch = 0 : i64, scratch_operands = 0 : i64, tpu.core_type = #tpu.core_type<tc>} {
    %get3A = arith.constant 0 : index
    %get3A_0 = arith.constant 0 : index
    %get3A_1 = vector.load %arg0[%get3A, %get3A_0] : memref<72x64xf32, #tpu.memory_space<vmem>>, vector<72x64xf32>
    %transpose3A = tpu.transpose %get3A_1, [1, 0] : vector<72x64xf32> -> vector<64x72xf32>
    %swap3A = arith.constant 0 : index
    %swap3A_2 = arith.constant 0 : index
    %swap3A_3 = vector.load %arg1[%swap3A, %swap3A_2] : memref<64x72xf32, #tpu.memory_space<vmem>>, vector<64x72xf32>
    tpu.vector_store %arg1[%swap3A, %swap3A_2], %transpose3A {strides = array<i32>} : memref<64x72xf32, #tpu.memory_space<vmem>>, vector<64x72xf32>,
    return
  }
}

module attributes {stable_mosaic.version = 14 : i64} {
  func.func @body(%arg0: i32, %arg1: memref<512x200xi32, #tpu.memory_space<vmem>>, %arg2: memref<200x512xi32, #tpu.memory_space<vmem>>) attributes {dimension_semantics = [#tpu.dimension_semantics<arbitrary>], iteration_bounds = array<i64: 8>, scalar_prefetch = 0 : i64, scratch_operands = 0 : i64, tpu.core_type = #tpu.core_type<tc>, window_params = [{transform_indices = @transform_0, window_bounds = array<i64: 512, 200>}, {transform_indices = @transform_1, window_bounds = array<i64: 200, 512>}]} {
    %get3A = arith.constant 0 : index
    %get3A_0 = arith.constant 0 : index
    %get3A_1 = vector.load %arg1[%get3A, %get3A_0] : memref<512x200xi32, #tpu.memory_space<vmem>>, vector<512x200xi32>
    %transpose3A = tpu.transpose %get3A_1, [1, 0] : vector<512x200xi32> -> vector<200x512xi32>
    %swap3A = arith.constant 0 : index
    %swap3A_2 = arith.constant 0 : index
    %swap3A_3 = vector.load %arg2[%swap3A, %swap3A_2] : memref<200x512xi32, #tpu.memory_space<vmem>>, vector<200x512xi32>
    tpu.vector_store %arg2[%swap3A, %swap3A_2], %transpose3A {strides = array<i32>} : memref<200x512xi32, #tpu.memory_space<vmem>>, vector<200x512xi32>,
    return
  }
  func.func @transform_0(%arg0: i32) -> (i32, i32) {
    %c0_i32 = arith.constant 0 : i32
    %c0_i32_0 = arith.constant 0 : i32
    return %arg0, %c0_i32 : i32, i32
  }
  func.func @transform_1(%arg0: i32) -> (i32, i32) {
    %c0_i32 = arith.constant 0 : i32
    %c0_i32_0 = arith.constant 0 : i32
    return %c0_i32, %arg0 : i32, i32
  }
}

</mosaic_0001>

<sc_bundles>
// kernel: kernel.5.cloned.1.call-start
scs
__scs_entry_jumppad:
0x0: {  	(pc) =	sbr.rel $0x88, $3  }
0x1: {  	(tag) =	ssettag $0x0;
	lr =	simm.s32 $0x1  }
0x2: {  	[smem:$0x3F9F] =	sst lr;
	_ =	strace $0xD0000000  }
0x3: {  	_ = 	snop  }
0x4: {  	_ = 	snop  }
0x5: {  	_ = 	snop  }
0x6: {  	_ = 	snop  }
0x7: {  	_ = 	snop  }
__scs_overlays_trampoline_lowered:
0x8: {  	[smem:$0x3FAE] =	sst s0  }
0x9: {  	[smem:$0x3FAF] =	sst s1  }
0xa: {  	[smem:$0x3FB0] =	sst s2  }
0xb: {  	[smem:$0x3FB1] =	sst s3  }
0xc: {  	[smem:$0x3FB2] =	sst s4  }
0xd: {  	[smem:$0x3FB3] =	sst s5  }
0xe: {  	[smem:$0x3FB4] =	sst s6  }
0xf: {  	[smem:$0x3FB5] =	sst s7  }
0x10: {  	[smem:$0x3FB6] =	sst s8  }
0x11: {  	[smem:$0x3FB7] =	sst s9;
	s0 =	simm.s32 @!p0 $0x0  }
0x12: {  	s1 =	sld [smem:$0x3F9D];
	s0 =	simm.s32 @p0 $0x1  }
0x13: {  	[smem:$0x3FB8] =	sst s0;
	s0 =	simm.s32 @!p1 $0x0  }
0x14: {  	s2 =	sld [smem:$0x3F9C];
	s0 =	simm.s32 @p1 $0x1  }
0x15: {  	[smem:$0x3FB9] =	sst s0;
	s0 =	simm.s32 @!p2 $0x0  }
0x16: {  	s3 =	sld [smem:$0x3FDB];
	s0 =	simm.s32 @p2 $0x1  }
0x17: {  	s4 =	simm.s32 $0x1BF5;
	[smem:$0x3FBB] =	sst s0  }
0x18: {  	s0 =	sld [smem:$0x3F9E];
	_ =	swait.ge [sflag:s4], $0x0  }
0x19: {  	s7 =	sld [smem:$0x3F9F]  }
0x1a: {  	s8 =	sadd.s32 $0xFFFFE003, lr  }
0x1b: {  	s9 =	sadd.s32 $0xFFFFFEF7, lr;
	s5 =	simm.s32 $0xFFFFFFFF;
	p2 =	slt.u32 s8, $0xFFFFF086  }
0x1c: {  	p1 =	slt.u32 s9, $0xF7A;
	s5 =	simm.s32 @!p2 $0x0  }
0x1d: {  	s5 =	simm.s32 @p1 $0x1;
	p0 =	seq.s32 s7, s2  }
0x1e: {  	s7 =	smul.u32 @!p0 $0xF7A, s2;
	p2 =	seq.s32 @!p0 s5, $0x0  }
0x1f: {  	s9 =	smul.u32 $0xF7A, s1;
	s8 =	simm.s32 @!p0 $0x1BF5;
	p2 =	por !p2, p0  }
0x20: {  	[sflag:s8] =	ssyncset.s32 @!p0 $0xFFFFF086;
	s6 =	sadd.s32 @!p0 s3, s7;
	s7 =	simm.s32 @!p0 $0x108  }
0x21: {  	s3 =	sadd.s32 s3, s9;
	s6 =	sadd.s32 @!p0 $0x88, s6;
	s7 =	simm.s32 @p2 $0x1082  }
0x22: {  	[simem:s7], [sflag:s8] =	dma.local @!p0 [hbm:s6], $0xF7A  }
0x23: {  	s9 =	sor.u32 $0xD0000000, s2;
	s6 =	simm.s32 $0x108;
	_ =	swait.ge @!p0 [sflag:s8], $0x0  }
0x24: {  	s3 =	sadd.s32 $0x88, s3;
	s6 =	simm.s32 @!p1 $0x1082;
	[sflag:s4] =	ssyncset.s32 $0xFFFFF086  }
0x25: {  	[simem:s6], [sflag:s4] =	dma.local [hbm:s3], $0xF7A  }
0x26: {  	[smem:$0x3F9F] =	sst s1;
	(tag) =	ssettag s2;
	_ =	strace s9  }
0x27: {  	s1 =	sld [smem:$0x3FAF]  }
0x28: {  	s2 =	sld [smem:$0x3FB0]  }
0x29: {  	s4 =	sld [smem:$0x3FB2]  }
0x2a: {  	p0 =	seq.s32 s5, $0x0;
	s5 =	sld [smem:$0x3FB3]  }
0x2b: {  	s6 =	sld [smem:$0x3FB4]  }
0x2c: {  	s7 =	sld [smem:$0x3FB5]  }
0x2d: {  	s3 =	simm.s32 $0x108;
	s8 =	sld [smem:$0x3FB6]  }
0x2e: {  	s3 =	simm.s32 @!p0 $0x1082;
	s9 =	sld [smem:$0x3FB7]  }
0x2f: {  	lr =	sadd.s32 s0, s3;
	s0 =	sld [smem:$0x3FAE]  }
0x30: {  	s3 =	sld [smem:$0x3FB1]  }
0x31: {  	[smem:$0x3FBA] =	sst s10  }
0x32: {  	s10 =	sld [smem:$0x3FB8];
	_ =	sdelay $0x3  }
0x33: {  	p0 =	seq.s32 s10, $0x1;
	s10 =	sld [smem:$0x3FBA];
	_ =	sdelay $0x3  }
0x34: {  	[smem:$0x3FBA] =	sst s10  }
0x35: {  	s10 =	sld [smem:$0x3FB9];
	_ =	sdelay $0x3  }
0x36: {  	p1 =	seq.s32 s10, $0x1;
	s10 =	sld [smem:$0x3FBA];
	_ =	sdelay $0x3  }
0x37: {  	[smem:$0x3FBA] =	sst s10  }
0x38: {  	s10 =	sld [smem:$0x3FBB]  }
0x39: {  	_ = 	snop;
	(pc) =	sbr.ind lr, $3  }
0x3a: {  	_ = 	snop  }
0x3b: {  	_ = 	snop  }
0x3c: {  	p2 =	seq.s32 s10, $0x1;
	s10 =	sld [smem:$0x3FBA]  }
0x3d: {  	_ =	shalt  }
0x3e: {  	_ =	shalt  }
0x3f: {  	_ =	shalt  }
0x40: {  	_ =	shalt  }
0x41: {  	_ =	shalt  }
0x42: {  	_ =	shalt  }
0x43: {  	_ =	shalt  }
0x44: {  	_ =	shalt  }
0x45: {  	_ =	shalt  }
0x46: {  	_ =	shalt  }
0x47: {  	_ =	shalt  }
0x48: {  	_ =	shalt  }
0x49: {  	_ =	shalt  }
0x4a: {  	_ =	shalt  }
0x4b: {  	_ =	shalt  }
0x4c: {  	_ =	shalt  }
0x4d: {  	_ =	shalt  }
0x4e: {  	_ =	shalt  }
0x4f: {  	_ =	shalt  }
0x50: {  	_ =	shalt  }
0x51: {  	_ =	shalt  }
0x52: {  	_ =	shalt  }
0x53: {  	_ =	shalt  }
0x54: {  	_ =	shalt  }
0x55: {  	_ =	shalt  }
0x56: {  	_ =	shalt  }
0x57: {  	_ =	shalt  }
0x58: {  	_ =	shalt  }
0x59: {  	_ =	shalt  }
0x5a: {  	_ =	shalt  }
0x5b: {  	_ =	shalt  }
0x5c: {  	_ =	shalt  }
0x5d: {  	_ =	shalt  }
0x5e: {  	_ =	shalt  }
0x5f: {  	_ =	shalt  }
0x60: {  	_ =	shalt  }
0x61: {  	_ =	shalt  }
0x62: {  	_ =	shalt  }
0x63: {  	_ =	shalt  }
0x64: {  	_ =	shalt  }
0x65: {  	_ =	shalt  }
0x66: {  	_ =	shalt  }
0x67: {  	_ =	shalt  }
0x68: {  	_ =	shalt  }
0x69: {  	_ =	shalt  }
0x6a: {  	_ =	shalt  }
0x6b: {  	_ =	shalt  }
0x6c: {  	_ =	shalt  }
0x6d: {  	_ =	shalt  }
0x6e: {  	_ =	shalt  }
0x6f: {  	_ =	shalt  }
0x70: {  	_ =	shalt  }
0x71: {  	_ =	shalt  }
0x72: {  	_ =	shalt  }
0x73: {  	_ =	shalt  }
0x74: {  	_ =	shalt  }
0x75: {  	_ =	shalt  }
0x76: {  	_ =	shalt  }
0x77: {  	_ =	shalt  }
0x78: {  	_ =	shalt  }
0x79: {  	_ =	shalt  }
0x7a: {  	_ =	shalt  }
0x7b: {  	_ =	shalt  }
0x7c: {  	_ =	shalt  }
0x7d: {  	_ =	shalt  }
0x7e: {  	_ =	shalt  }
0x7f: {  	_ =	shalt  }
0x80: {  	_ =	shalt  }
0x81: {  	_ =	shalt  }
0x82: {  	_ =	shalt  }
0x83: {  	_ =	shalt  }
0x84: {  	_ =	shalt  }
0x85: {  	_ =	shalt  }
0x86: {  	_ =	shalt  }
0x87: {  	_ =	shalt  }
.Lfunc_end0:
.L_simem_size_0:
called_computation_lowered:
.L_overlay_start_0:
0x88: {  	s2 =	sld [smem:$0x3FD9]  }
0x89: {  	s3 =	sld [smem:$0x3FFE];
	_ =	sdelay $0x1  }
0x8a: {  	s1 =	srdreg.scid  }
0x8b: {  	s0 =	sand.u32 $0x1, s1  }
0x8c: {  	s17 =	sshll.u32 s0, $0xA;
	s2 =	sadd.s32 s3, s2  }
0x8d: {  	s2 =	sadd.s32 s2, s17  }
0x8e: {  	[smem:$0x3FC6] =	sst s2  }
0x8f: {  	_ = 	snop  }
0x90: {  	s2 =	sld [smem:$0x3FD0];
	(tm) =	ssettm $0x1  }
0x91: {  	s18 =	sld [smem:$0x3FFB];
	_ =	sdelay $0x3  }
0x92: {  	_ =	strace s18  }
0x93: {  	s3 =	sld [smem:$0x3FFC];
	_ =	sdelay $0x3  }
0x94: {  	_ =	strace s3  }
0x95: {  	s3 =	sld [smem:$0x3FFD];
	_ =	sdelay $0x3  }
0x96: {  	_ =	strace s3  }
0x97: {  	_ =	strace $0x8FFFFFFF  }
0x98: {  	s19 =	sld [smem:$0x3FDB];
	_ =	sdelay $0x1  }
0x99: {  	s4 =	simm.s32 $_scs_section_size  }
0x9a: {  	s5 =	simm.s32 $_size__tile_overlayer_lowered;
	s6 =	simm.s32 $_tile_overlayer_lowered  }
0x9b: {  	s22 =	simm.s32 $0x1BFF;
	s21 =	sshll.u32 s6, $0x1;
	s3 =	sadd.s32 s4, s19  }
0x9c: {  	s7 =	simm.s32 $0x0;
	s20 =	sshll.u32 s5, $0x1;
	s5 =	sadd.s32 s21, s3  }
0x9d: {  	[timem:s7], [sflag:s22] =	dma.local [hbm:s5], s20  }
0x9e: {  	_ =	swait.ge [sflag:s22], s20  }
0x9f: {  	s4 =	ssub.s32 $0x0, s20;
	[sflag:s22] =	ssyncset.done $0x0  }
0xa0: {  	[sflag:s22] =	ssyncadd.s32 s4;
	_ =	sdelay $0x1  }
0xa1: {  	s23 =	simm.s32 $0x1B8B  }
0xa2: {  	_ =	swait.ge [sflag:s23], $0x1  }
0xa3: {  	[sflag:s23] =	ssyncset.done $0x0  }
0xa4: {  	s25 =	simm.s32 $0x1B8E;
	s24 =	sld [smem:$0x3FFE];
	[sflag:s23] =	ssyncadd.s32 $0xFFFFFFFF  }
0xa5: {  	s26 =	simm.s32 $execute0_lowered;
	[smem:$0x3FD2] =	sst s25  }
0xa6: {  	s5 =	sshll.u32 s26, $0x1;
	_ =	strace $0x80000046;
	[dreg:$0x1] =	wrdreg $0xFFFFFFFF  }
0xa7: {  	s28 =	simm.s32 $_size_execute0_lowered;
	s3 =	sadd.s32 s3, s5;
	[dreg:$0x0] =	wrdreg $0x0  }
0xa8: {  	s5 =	sshll.u32 s28, $0x1;
	[dreg:$0x2] =	wrdreg s3  }
0xa9: {  	[dreg:$0x3] =	wrdreg s5  }
0xaa: {  	[dreg:$0x4] =	wrdreg $0xC0  }
0xab: {  	_ =	task [dreg:s7], $0x5FFFF  }
0xac: {  	[dreg:$0x1] =	wrdreg $0xFFFFFFFF  }
0xad: {  	[dreg:$0x0] =	wrdreg $0x60  }
0xae: {  	[dreg:$0x2] =	wrdreg s24  }
0xaf: {  	[dreg:$0x3] =	wrdreg s2  }
0xb0: {  	[dreg:$0x4] =	wrdreg $0x9  }
0xb1: {  	_ =	task.clear_ibuf [dreg:s7], $0x5FFFF;
	_ =	strace $0x90000046  }
0xb2: {  	s29 =	simm.s32 $0x9;
	_ =	strace $0x80000048  }
0xb3: {  	_ =	swait.ge [sflag:s29], $0x1  }
0xb4: {  	[sflag:s29] =	ssyncadd.s32 $0xFFFFFFFF  }
0xb5: {  	_ =	strace $0x90000048  }
0xb6: {  	_ =	sfence  }
0xb7: {  	s30 =	sld [smem:$0x0];
	_ =	sdelay $0x2  }
0xb8: {  	s31 =	sshll.u32 s1, $0xD;
	s1 =	sshrl.u32 s1, $0x2  }
0xb9: {  	s3 =	sand.u32 $0x4000, s31;
	s1 =	sadd.s32 s1, s30  }
0xba: {  	s0 =	sor.u32 s3, s0;
	s1 =	sshll.u32 s1, $0x11  }
0xbb: {  	s0 =	sor.u32 s1, s0  }
0xbc: {  	s0 =	sadd.s32 $0x8F2B, s0  }
0xbd: {  	[sflag:s0] =	ssyncadd.remote.s32 $0x1  }
0xbe: {  	_ =	sfence.sel $0xFFFF  }
0xbf: {  	[dreg:$0x0] =	wrdreg $0xFFFFFFFF;
	(pc) =	sbr.abs _section_cstart, $3  }
0xc0: {  	[dreg:$0x1] =	wrdreg $0xFFFFFFFF  }
0xc1: {  	_ =	task.clear_ibuf [dreg:s7], $0x2FFFF;
	_ =	strace $0x9FFFFFFF  }
0xc2: {  	(tm) =	ssettm $0x7FFFFFFF  }
0xc3: {  	_ =	shalt  }
tec
execute0_lowered:
.L_overlay_start_1:
0x0: {  	(tag) =	ssettag $0x1  }
0x1: {  	s6 =	rddreg [dreg:$0x0]  }
0x2: {  	s2 =	rddreg [dreg:$0x1];
	s3 =	srdreg.scid  }
0x3: {  	s0 =	rddreg [dreg:$0x2];
	s1 =	stileid.u32;
	s10 =	simm.s32 $0x8000  }
0x4: {  	s11 =	simm.s32 $0x1200;
	s12 =	simm.s32 $0x7600;
	s13 =	simm.s32 $0x9600  }
0x5: {  	s14 =	simm.s32 $0xB600;
	s15 =	simm.s32 $0xD600;
	s16 =	simm.s32 $0x1  }
0x6: {  	s17 =	simm.s32 $0x2;
	s18 =	simm.s32 $0x3;
	s19 =	simm.s32 $0x4  }
0x7: {  	s20 =	simm.s32 $0x0;
	s5 =	sand.u32 $0x1, s3;
	s3 =	simm.s32 $0x0  }
0x8: {  	s4 =	sshll.u32 s1, $0xB;
	s7 =	sshll.u32 s5, $0xA;
	[smem:$0x7FF] =	sst s3  }
0x9: {  	s31 =	ssub.s32 $0x2, s5;
	s5 =	sadd.s32 $0x600, s6;
	s4 =	sor.u32 s7, s4  }
0xa: {  	_ =	strace $0x80000047;
	s9 =	sshrl.u32 s31, $0x1;
	s8 =	sshrl.u32 s4, $0x3  }
0xb: {  	s7 =	ssub.s32 s31, s9;
	s9 =	simm.s32 $0x400;
	s6 =	sadd.s32 s8, s6  }
0xc: {  	s7 =	smax.u32 s7, $0x1;
	s8 =	simm.s32 $0x5;
	s6 =	sadd.s32 $0xA00, s6  }
.LBB2_1:
0xd: {  	[tilespmem:s3], [sflag:$0x5] =	stream.linear.gather [hbm4b:s5+s3], $0x1200, $0x38;
	[tilespmem:$0xF600] =	vst v63  }
0xe: {  	_ =	swait.ge [sflag:s8], $0x1200  }
0xf: {  	[sflag:s8] =	ssyncset.done $0x0  }
0x10: {  	[sflag:s8] =	ssyncadd.s32 $0xFFFFEE00  }
0x11: {  	[tilespmem:s11], [sflag:$0x5] =	stream.strided.gather [hbm4b:s6+s9], $0x6400, s10, s9, $0x38;
	[tilespmem:$0xF600] =	vst v63  }
0x12: {  	_ =	swait.ge [sflag:s8], $0x6400  }
0x13: {  	[sflag:s8] =	ssyncset.done $0x0  }
0x14: {  	s21 =	simm.s32 $0x0;
	[sflag:s8] =	ssyncadd.s32 $0xFFFF9C00  }
.LBB2_2:
0x15: {  	p0 =	seq.s32 s21, $0x0  }
0x16: {  	s23 =	simm.s32 @!p0 $0x1  }
0x17: {  	s22 =	sshll.u32 s21, $0x9;
	_ =	swait.ge @!p0 [sflag:s23], $0x2000  }
0x18: {  	s24 =	sand.u32 $0x3FFFFE00, s22;
	[sflag:s23] =	ssyncset.done @!p0 $0x0  }
0x19: {  	s26 =	simm.s32 $0x0;
	[sflag:s23] =	ssyncadd.s32 @!p0 $0xFFFFE000;
	s23 =	sadd.s32 $0x1200, s24  }
0x1a: {  	s25 =	simm.s32 $0x7A10;
	s22 =	sshll.u32 s21, $0x2;
	s24 =	simm.s32 $0x7A00;
	v0 =	vmov s23  }
.LBB2_3:
0x1b: {  	_ =	sdelay $0x2  }
0x1c: {  	s28 =	sshll.u32 s26, $0x4  }
0x1d: {  	v1 =	vld.idx.msk [tilespmem:v0+s28+$0x0 ss:$0x1], $0xffff;
	_ =	sdelay $0x4  }
0x1e: {  	vm0 =	vgt.s32 v1, $0x0  }
0x1f: {  	v1 =	vnsel vm0, $0x0, v1  }
0x20: {  	v5 =	vmin.u32 v1, $0x47  }
0x21: {  	v2 =	vadd.s32 $0x438, v5  }
0x22: {  	v3 =	vadd.s32 $0x48, v5  }
0x23: {  	v4 =	vadd.s32 $0x90, v5  }
0x24: {  	v6 =	vadd.s32 $0xD8, v5  }
0x25: {  	v7 =	vadd.s32 $0x120, v5;
	v1 =	vld.idx.msk [tilespmem:v5+s3+$0x0], $0xffff  }
0x26: {  	v8 =	vadd.s32 $0x168, v5;
	v2 =	vld.idx.msk [tilespmem:v2+s3+$0x0], $0xffff  }
0x27: {  	v9 =	vadd.s32 $0x1B0, v5;
	v3 =	vld.idx.msk [tilespmem:v3+s3+$0x0], $0xffff  }
0x28: {  	v10 =	vadd.s32 $0x1F8, v5;
	v4 =	vld.idx.msk [tilespmem:v4+s3+$0x0], $0xffff  }
0x29: {  	v13 =	vadd.s32 $0x240, v5;
	v14 =	vld.idx.msk [tilespmem:v6+s3+$0x0], $0xffff  }
0x2a: {  	v15 =	vadd.s32 $0x288, v5;
	v16 =	vld.idx.msk [tilespmem:v7+s3+$0x0], $0xffff  }
0x2b: {  	v17 =	vadd.s32 $0x2D0, v5;
	v12 =	vld.idx.msk [tilespmem:v8+s3+$0x0], $0xffff  }
0x2c: {  	v11 =	vld.idx.msk [tilespmem:v9+s3+$0x0], $0xffff;
	v6 =	vadd.s32 $0x318, v5;
	[tilespmem:s24+$0x380] =	vst v2  }
0x2d: {  	v10 =	vld.idx.msk [tilespmem:v10+s3+$0x0], $0xffff;
	[tilespmem:s24+$0xFFFFFD00] =	vst v4;
	v4 =	vadd.s32 $0x360, v5  }
0x2e: {  	v8 =	vld.idx.msk [tilespmem:v13+s3+$0x0], $0xffff;
	[tilespmem:s24+$0xFFFFFC80] =	vst v3;
	v3 =	vadd.s32 $0x3A8, v5  }
0x2f: {  	v7 =	vld.idx.msk [tilespmem:v15+s3+$0x0], $0xffff;
	[tilespmem:s24+$0xFFFFFD80] =	vst v14;
	v2 =	vadd.s32 $0x3F0, v5  }
0x30: {  	s30 =	simm.s32 $0x0;
	s29 =	sadd.s32 s28, s23;
	s28 =	smov.u32 s24;
	v9 =	vld.idx.msk [tilespmem:v17+s3+$0x0], $0xffff;
	[tilespmem:s24+$0xFFFFFE00] =	vst v16;
	v5 =	vadd.s32 $0x480, v5  }
.LBB2_4:
0x31: {  	v13 =	vadd.s32 $0x48, v5;
	v14 =	vadd.s32 $0x90, v5;
	v15 =	vadd.s32 $0x438, v5;
	s30 =	sadd.s32 $0x10, s30;
	[tilespmem:s28+$0xFFFFFE80] =	vst v12;
	v12 =	vld.idx.msk [tilespmem:v6+s3+$0x0], $0xffff  }
0x32: {  	v16 =	vadd.s32 $0xD8, v5;
	v17 =	vadd.s32 $0x120, v5;
	v18 =	vadd.s32 $0x168, v5;
	p1 =	slt.u32 s30, $0x30;
	[tilespmem:s28+$0xFFFFFF00] =	vst v11;
	v11 =	vld.idx.msk [tilespmem:v4+s3+$0x0], $0xffff  }
0x33: {  	v19 =	vadd.s32 $0x1B0, v5;
	v20 =	vadd.s32 $0x1F8, v5;
	v21 =	vadd.s32 $0x240, v5;
	[tilespmem:s28+$0xFFFFFF80] =	vst v10;
	v10 =	vld.idx.msk [tilespmem:v3+s3+$0x0], $0xffff  }
0x34: {  	v22 =	vadd.s32 $0x288, v5;
	v23 =	vadd.s32 $0x2D0, v5;
	v6 =	vadd.s32 $0x318, v5;
	[tilespmem:s28+$0x0] =	vst v8;
	v8 =	vld.idx.msk [tilespmem:v2+s3+$0x0], $0xffff  }
0x35: {  	v4 =	vadd.s32 $0x360, v5;
	v3 =	vadd.s32 $0x3A8, v5;
	v2 =	vadd.s32 $0x3F0, v5;
	v24 =	vld.idx.msk [tilespmem:v5+s3+$0x0], $0xffff;
	[tilespmem:s28+$0x80] =	vst v7  }
0x36: {  	v7 =	vld.idx.msk [tilespmem:v15+s3+$0x0], $0xffff;
	[tilespmem:s28+$0x100] =	vst v9  }
0x37: {  	v9 =	vld.idx.msk [tilespmem:v13+s3+$0x0], $0xffff;
	[tilespmem:s28+$0x180] =	vst v12  }
0x38: {  	v13 =	vld.idx.msk [tilespmem:v14+s3+$0x0], $0xffff;
	[tilespmem:s28+$0x200] =	vst v11  }
0x39: {  	v14 =	vld.idx.msk [tilespmem:v16+s3+$0x0], $0xffff;
	[tilespmem:s28+$0x280] =	vst v10  }
0x3a: {  	v15 =	vld.idx.msk [tilespmem:v17+s3+$0x0], $0xffff;
	[tilespmem:s28+$0x300] =	vst v8  }
0x3b: {  	v12 =	vld.idx.msk [tilespmem:v18+s3+$0x0], $0xffff;
	[tilespmem:s28+$0xFFFFFC00] =	vst v1;
	s28 =	sadd.s32 $0x800, s28;
	v1 =	vmov v24  }
.Ltmp0:
0x3c: {  	v11 =	vld.idx.msk [tilespmem:v19+s3+$0x0], $0xffff;
	[tilespmem:s28+$0x380] =	vst v7;
	(pc) =	sbr.rel @p1 .LBB2_4-.Ltmp0, $4  }
0x3d: {  	[tilespmem:s28+$0xFFFFFC80] =	vst v9;
	v10 =	vld.idx.msk [tilespmem:v20+s3+$0x0], $0xffff  }
0x3e: {  	[tilespmem:s28+$0xFFFFFD00] =	vst v13;
	v8 =	vld.idx.msk [tilespmem:v21+s3+$0x0], $0xffff  }
0x3f: {  	[tilespmem:s28+$0xFFFFFD80] =	vst v14;
	v7 =	vld.idx.msk [tilespmem:v22+s3+$0x0], $0xffff  }
0x40: {  	v5 =	vadd.s32 $0x480, v5;
	[tilespmem:s28+$0xFFFFFE00] =	vst v15;
	v9 =	vld.idx.msk [tilespmem:v23+s3+$0x0], $0xffff  }
0x41: {  	v5 =	vld [tilespmem:s29+$0x10];
	_ =	sdelay $0x4  }
0x42: {  	vm0 =	vgt.s32 v5, $0x0  }
0x43: {  	v5 =	vnsel vm0, $0x0, v5  }
0x44: {  	v13 =	vmin.u32 v5, $0x47  }
0x45: {  	[tilespmem:s28+$0xFFFFFE80] =	vst v12;
	v5 =	vld.idx.msk [tilespmem:v6+s3+$0x0], $0xffff;
	v6 =	vadd.s32 $0x438, v13  }
0x46: {  	[tilespmem:s28+$0xFFFFFF00] =	vst v11;
	v4 =	vld.idx.msk [tilespmem:v4+s3+$0x0], $0xffff;
	v11 =	vadd.s32 $0x48, v13  }
0x47: {  	v3 =	vld.idx.msk [tilespmem:v3+s3+$0x0], $0xffff;
	[tilespmem:s28+$0xFFFFFF80] =	vst v10;
	v10 =	vadd.s32 $0x90, v13  }
0x48: {  	[tilespmem:s28+$0x0] =	vst v8;
	v8 =	vld.idx.msk [tilespmem:v2+s3+$0x0], $0xffff;
	v12 =	vadd.s32 $0xD8, v13  }
0x49: {  	[tilespmem:s28+$0x80] =	vst v7;
	v7 =	vadd.s32 $0x120, v13;
	v2 =	vld.idx.msk [tilespmem:v13+s3+$0x0], $0xffff  }
0x4a: {  	[tilespmem:s28+$0x100] =	vst v9;
	v9 =	vadd.s32 $0x168, v13;
	v6 =	vld.idx.msk [tilespmem:v6+s3+$0x0], $0xffff  }
0x4b: {  	[tilespmem:s28+$0x200] =	vst v4;
	v4 =	vadd.s32 $0x1F8, v13;
	v14 =	vld.idx.msk [tilespmem:v11+s3+$0x0], $0xffff  }
0x4c: {  	[tilespmem:s28+$0x180] =	vst v5;
	v5 =	vadd.s32 $0x1B0, v13;
	v15 =	vld.idx.msk [tilespmem:v10+s3+$0x0], $0xffff  }
0x4d: {  	[tilespmem:s28+$0x280] =	vst v3;
	v3 =	vadd.s32 $0x240, v13;
	v16 =	vld.idx.msk [tilespmem:v12+s3+$0x0], $0xffff  }
0x4e: {  	[tilespmem:s28+$0xFFFFFC00] =	vst v1;
	v17 =	vadd.s32 $0x288, v13;
	v18 =	vld.idx.msk [tilespmem:v7+s3+$0x0], $0xffff  }
0x4f: {  	[tilespmem:s28+$0x300] =	vst v8;
	v19 =	vadd.s32 $0x2D0, v13;
	v12 =	vld.idx.msk [tilespmem:v9+s3+$0x0], $0xffff  }
0x50: {  	v10 =	vld.idx.msk [tilespmem:v4+s3+$0x0], $0xffff;
	[tilespmem:s25+$0x380] =	vst v6;
	v6 =	vadd.s32 $0x318, v13  }
0x51: {  	v11 =	vld.idx.msk [tilespmem:v5+s3+$0x0], $0xffff;
	v5 =	vadd.s32 $0x360, v13;
	[tilespmem:s25+$0xFFFFFC80] =	vst v14  }
0x52: {  	v8 =	vld.idx.msk [tilespmem:v3+s3+$0x0], $0xffff;
	v3 =	vadd.s32 $0x3A8, v13;
	[tilespmem:s25+$0xFFFFFD00] =	vst v15  }
0x53: {  	v1 =	vadd.s32 $0x3F0, v13;
	v7 =	vld.idx.msk [tilespmem:v17+s3+$0x0], $0xffff;
	[tilespmem:s25+$0xFFFFFD80] =	vst v16  }
0x54: {  	s29 =	simm.s32 $0x0;
	s28 =	smov.u32 s25;
	v9 =	vld.idx.msk [tilespmem:v19+s3+$0x0], $0xffff;
	v4 =	vadd.s32 $0x480, v13;
	[tilespmem:s25+$0xFFFFFE00] =	vst v18  }
.LBB2_6:
0x55: {  	v13 =	vadd.s32 $0x48, v4;
	v14 =	vadd.s32 $0x90, v4;
	v15 =	vadd.s32 $0x438, v4;
	s29 =	sadd.s32 $0x10, s29;
	[tilespmem:s28+$0xFFFFFE80] =	vst v12;
	v12 =	vld.idx.msk [tilespmem:v6+s3+$0x0], $0xffff  }
0x56: {  	v16 =	vadd.s32 $0xD8, v4;
	v17 =	vadd.s32 $0x120, v4;
	v18 =	vadd.s32 $0x168, v4;
	p1 =	slt.u32 s29, $0x30;
	[tilespmem:s28+$0xFFFFFF00] =	vst v11;
	v11 =	vld.idx.msk [tilespmem:v5+s3+$0x0], $0xffff  }
0x57: {  	v19 =	vadd.s32 $0x1B0, v4;
	v20 =	vadd.s32 $0x1F8, v4;
	v21 =	vadd.s32 $0x240, v4;
	[tilespmem:s28+$0xFFFFFF80] =	vst v10;
	v10 =	vld.idx.msk [tilespmem:v3+s3+$0x0], $0xffff  }
0x58: {  	v22 =	vadd.s32 $0x288, v4;
	v23 =	vadd.s32 $0x2D0, v4;
	v6 =	vadd.s32 $0x318, v4;
	[tilespmem:s28+$0x0] =	vst v8;
	v8 =	vld.idx.msk [tilespmem:v1+s3+$0x0], $0xffff  }
0x59: {  	v5 =	vadd.s32 $0x360, v4;
	v3 =	vadd.s32 $0x3A8, v4;
	v1 =	vadd.s32 $0x3F0, v4;
	v24 =	vld.idx.msk [tilespmem:v4+s3+$0x0], $0xffff;
	[tilespmem:s28+$0x80] =	vst v7  }
0x5a: {  	v7 =	vld.idx.msk [tilespmem:v15+s3+$0x0], $0xffff;
	[tilespmem:s28+$0x100] =	vst v9  }
0x5b: {  	v9 =	vld.idx.msk [tilespmem:v13+s3+$0x0], $0xffff;
	[tilespmem:s28+$0x180] =	vst v12  }
0x5c: {  	v13 =	vld.idx.msk [tilespmem:v14+s3+$0x0], $0xffff;
	[tilespmem:s28+$0x200] =	vst v11  }
0x5d: {  	v14 =	vld.idx.msk [tilespmem:v16+s3+$0x0], $0xffff;
	[tilespmem:s28+$0x280] =	vst v10  }
0x5e: {  	v15 =	vld.idx.msk [tilespmem:v17+s3+$0x0], $0xffff;
	[tilespmem:s28+$0x300] =	vst v8  }
0x5f: {  	v12 =	vld.idx.msk [tilespmem:v18+s3+$0x0], $0xffff;
	[tilespmem:s28+$0xFFFFFC00] =	vst v2;
	s28 =	sadd.s32 $0x800, s28;
	v2 =	vmov v24  }
.Ltmp1:
0x60: {  	v11 =	vld.idx.msk [tilespmem:v19+s3+$0x0], $0xffff;
	[tilespmem:s28+$0x380] =	vst v7;
	(pc) =	sbr.rel @p1 .LBB2_6-.Ltmp1, $4  }
0x61: {  	[tilespmem:s28+$0xFFFFFC80] =	vst v9;
	v10 =	vld.idx.msk [tilespmem:v20+s3+$0x0], $0xffff  }
0x62: {  	[tilespmem:s28+$0xFFFFFD00] =	vst v13;
	v8 =	vld.idx.msk [tilespmem:v21+s3+$0x0], $0xffff  }
0x63: {  	[tilespmem:s28+$0xFFFFFD80] =	vst v14;
	v7 =	vld.idx.msk [tilespmem:v22+s3+$0x0], $0xffff  }
0x64: {  	v4 =	vadd.s32 $0x480, v4;
	[tilespmem:s28+$0xFFFFFE00] =	vst v15;
	v9 =	vld.idx.msk [tilespmem:v23+s3+$0x0], $0xffff  }
0x65: {  	_ =	sdelay $0x1  }
0x66: {  	[tilespmem:s28+$0xFFFFFE80] =	vst v12  }
0x67: {  	[tilespmem:s28+$0xFFFFFF00] =	vst v11  }
0x68: {  	v4 =	vld.idx.msk [tilespmem:v6+s3+$0x0], $0xffff;
	[tilespmem:s28+$0xFFFFFC00] =	vst v2  }
0x69: {  	v5 =	vld.idx.msk [tilespmem:v5+s3+$0x0], $0xffff;
	[tilespmem:s28+$0xFFFFFF80] =	vst v10  }
0x6a: {  	v3 =	vld.idx.msk [tilespmem:v3+s3+$0x0], $0xffff;
	[tilespmem:s28+$0x0] =	vst v8  }
0x6b: {  	v1 =	vld.idx.msk [tilespmem:v1+s3+$0x0], $0xffff;
	p1 =	slt.u32 s26, $0x6;
	[tilespmem:s28+$0x80] =	vst v7  }
.Ltmp2:
0x6c: {  	[tilespmem:s28+$0x100] =	vst v9;
	(pc) =	sbr.rel @p1 .LBB2_3-.Ltmp2, $4  }
0x6d: {  	[tilespmem:s28+$0x180] =	vst v4  }
0x6e: {  	[tilespmem:s28+$0x200] =	vst v5  }
0x6f: {  	[tilespmem:s28+$0x280] =	vst v3  }
0x70: {  	s26 =	sadd.s32 $0x2, s26;
	s24 =	sadd.s32 $0x20, s24;
	s25 =	sadd.s32 $0x20, s25;
	[tilespmem:s28+$0x300] =	vst v1  }
0x71: {  	s23 =	sshll.u32 s21, $0x14  }
0x72: {  	s23 =	sor.u32 s4, s23  }
0x73: {  	s23 =	sshrl.u32 s23, $0x3  }
0x74: {  	s23 =	sadd.s32 s2, s23  }
0x75: {  	[hbm4b:s23+s9] =	stream.strided.scatter [tilespmem:s12], [sflag:$0x1], $0x2000, s10, s9, $0x38;
	[tilespmem:$0xF600] =	vst v63  }
0x76: {  	s24 =	simm.s32 @!p0 $0x2;
	s23 =	sor.u32 $0x1, s22  }
0x77: {  	_ =	swait.ge @!p0 [sflag:s24], $0x2000;
	s25 =	sshll.u32 s23, $0x7  }
0x78: {  	[sflag:s24] =	ssyncset.done @!p0 $0x0;
	s25 =	sand.u32 $0x3FFFFF80, s25  }
0x79: {  	[sflag:s24] =	ssyncadd.s32 @!p0 $0xFFFFE000;
	s24 =	sadd.s32 $0x1200, s25  }
0x7a: {  	s28 =	simm.s32 $0x0;
	s26 =	simm.s32 $0x9D90;
	s25 =	simm.s32 $0x9D80;
	v0 =	vmov s24  }
.LBB2_9:
0x7b: {  	_ =	sdelay $0x2  }
0x7c: {  	s29 =	sshll.u32 s28, $0x4  }
0x7d: {  	v1 =	vld.idx.msk [tilespmem:v0+s29+$0x0 ss:$0x1], $0xffff;
	_ =	sdelay $0x4  }
0x7e: {  	vm0 =	vgt.s32 v1, $0x0  }
0x7f: {  	v1 =	vnsel vm0, $0x0, v1  }
0x80: {  	v5 =	vmin.u32 v1, $0x47  }
0x81: {  	v2 =	vadd.s32 $0x438, v5  }
0x82: {  	v3 =	vadd.s32 $0x48, v5  }
0x83: {  	v4 =	vadd.s32 $0x90, v5  }
0x84: {  	v6 =	vadd.s32 $0xD8, v5  }
0x85: {  	v7 =	vadd.s32 $0x120, v5;
	v1 =	vld.idx.msk [tilespmem:v5+s3+$0x0], $0xffff  }
0x86: {  	v8 =	vadd.s32 $0x168, v5;
	v2 =	vld.idx.msk [tilespmem:v2+s3+$0x0], $0xffff  }
0x87: {  	v9 =	vadd.s32 $0x1B0, v5;
	v3 =	vld.idx.msk [tilespmem:v3+s3+$0x0], $0xffff  }
0x88: {  	v10 =	vadd.s32 $0x1F8, v5;
	v4 =	vld.idx.msk [tilespmem:v4+s3+$0x0], $0xffff  }
0x89: {  	v13 =	vadd.s32 $0x240, v5;
	v14 =	vld.idx.msk [tilespmem:v6+s3+$0x0], $0xffff  }
0x8a: {  	v15 =	vadd.s32 $0x288, v5;
	v16 =	vld.idx.msk [tilespmem:v7+s3+$0x0], $0xffff  }
0x8b: {  	v17 =	vadd.s32 $0x2D0, v5;
	v12 =	vld.idx.msk [tilespmem:v8+s3+$0x0], $0xffff  }
0x8c: {  	v11 =	vld.idx.msk [tilespmem:v9+s3+$0x0], $0xffff;
	v6 =	vadd.s32 $0x318, v5;
	[tilespmem:s25+$0x0] =	vst v2  }
0x8d: {  	v10 =	vld.idx.msk [tilespmem:v10+s3+$0x0], $0xffff;
	[tilespmem:s25+$0xFFFFF980] =	vst v4;
	v4 =	vadd.s32 $0x360, v5  }
0x8e: {  	v8 =	vld.idx.msk [tilespmem:v13+s3+$0x0], $0xffff;
	[tilespmem:s25+$0xFFFFF900] =	vst v3;
	v3 =	vadd.s32 $0x3A8, v5  }
0x8f: {  	v7 =	vld.idx.msk [tilespmem:v15+s3+$0x0], $0xffff;
	[tilespmem:s25+$0xFFFFFA00] =	vst v14;
	v2 =	vadd.s32 $0x3F0, v5  }
0x90: {  	s31 =	simm.s32 $0x0;
	s30 =	sadd.s32 s29, s24;
	s29 =	smov.u32 s25;
	v9 =	vld.idx.msk [tilespmem:v17+s3+$0x0], $0xffff;
	[tilespmem:s25+$0xFFFFFA80] =	vst v16;
	v5 =	vadd.s32 $0x480, v5  }
.LBB2_10:
0x91: {  	v13 =	vadd.s32 $0x48, v5;
	v14 =	vadd.s32 $0x90, v5;
	v15 =	vadd.s32 $0x438, v5;
	s31 =	sadd.s32 $0x10, s31;
	[tilespmem:s29+$0xFFFFFB00] =	vst v12;
	v12 =	vld.idx.msk [tilespmem:v6+s3+$0x0], $0xffff  }
0x92: {  	v16 =	vadd.s32 $0xD8, v5;
	v17 =	vadd.s32 $0x120, v5;
	v18 =	vadd.s32 $0x168, v5;
	p1 =	slt.u32 s31, $0x30;
	[tilespmem:s29+$0xFFFFFB80] =	vst v11;
	v11 =	vld.idx.msk [tilespmem:v4+s3+$0x0], $0xffff  }
0x93: {  	v19 =	vadd.s32 $0x1B0, v5;
	v20 =	vadd.s32 $0x1F8, v5;
	v21 =	vadd.s32 $0x240, v5;
	[tilespmem:s29+$0xFFFFFC00] =	vst v10;
	v10 =	vld.idx.msk [tilespmem:v3+s3+$0x0], $0xffff  }
0x94: {  	v22 =	vadd.s32 $0x288, v5;
	v23 =	vadd.s32 $0x2D0, v5;
	v6 =	vadd.s32 $0x318, v5;
	[tilespmem:s29+$0xFFFFFC80] =	vst v8;
	v8 =	vld.idx.msk [tilespmem:v2+s3+$0x0], $0xffff  }
0x95: {  	v4 =	vadd.s32 $0x360, v5;
	v3 =	vadd.s32 $0x3A8, v5;
	v2 =	vadd.s32 $0x3F0, v5;
	v24 =	vld.idx.msk [tilespmem:v5+s3+$0x0], $0xffff;
	[tilespmem:s29+$0xFFFFFD00] =	vst v7  }
0x96: {  	v7 =	vld.idx.msk [tilespmem:v15+s3+$0x0], $0xffff;
	[tilespmem:s29+$0xFFFFFD80] =	vst v9  }
0x97: {  	v9 =	vld.idx.msk [tilespmem:v13+s3+$0x0], $0xffff;
	[tilespmem:s29+$0xFFFFFE00] =	vst v12  }
0x98: {  	v13 =	vld.idx.msk [tilespmem:v14+s3+$0x0], $0xffff;
	[tilespmem:s29+$0xFFFFFE80] =	vst v11  }
0x99: {  	v14 =	vld.idx.msk [tilespmem:v16+s3+$0x0], $0xffff;
	[tilespmem:s29+$0xFFFFFF00] =	vst v10  }
0x9a: {  	v15 =	vld.idx.msk [tilespmem:v17+s3+$0x0], $0xffff;
	[tilespmem:s29+$0xFFFFFF80] =	vst v8  }
0x9b: {  	v12 =	vld.idx.msk [tilespmem:v18+s3+$0x0], $0xffff;
	[tilespmem:s29+$0xFFFFF880] =	vst v1;
	s29 =	sadd.s32 $0x800, s29;
	v1 =	vmov v24  }
.Ltmp3:
0x9c: {  	v11 =	vld.idx.msk [tilespmem:v19+s3+$0x0], $0xffff;
	[tilespmem:s29+$0x0] =	vst v7;
	(pc) =	sbr.rel @p1 .LBB2_10-.Ltmp3, $4  }
0x9d: {  	[tilespmem:s29+$0xFFFFF900] =	vst v9;
	v10 =	vld.idx.msk [tilespmem:v20+s3+$0x0], $0xffff  }
0x9e: {  	[tilespmem:s29+$0xFFFFF980] =	vst v13;
	v8 =	vld.idx.msk [tilespmem:v21+s3+$0x0], $0xffff  }
0x9f: {  	[tilespmem:s29+$0xFFFFFA00] =	vst v14;
	v7 =	vld.idx.msk [tilespmem:v22+s3+$0x0], $0xffff  }
0xa0: {  	v5 =	vadd.s32 $0x480, v5;
	[tilespmem:s29+$0xFFFFFA80] =	vst v15;
	v9 =	vld.idx.msk [tilespmem:v23+s3+$0x0], $0xffff  }
0xa1: {  	v5 =	vld [tilespmem:s30+$0x10];
	_ =	sdelay $0x4  }
0xa2: {  	vm0 =	vgt.s32 v5, $0x0  }
0xa3: {  	v5 =	vnsel vm0, $0x0, v5  }
0xa4: {  	v13 =	vmin.u32 v5, $0x47  }
0xa5: {  	[tilespmem:s29+$0xFFFFFB00] =	vst v12;
	v5 =	vld.idx.msk [tilespmem:v6+s3+$0x0], $0xffff;
	v6 =	vadd.s32 $0x438, v13  }
0xa6: {  	[tilespmem:s29+$0xFFFFFB80] =	vst v11;
	v4 =	vld.idx.msk [tilespmem:v4+s3+$0x0], $0xffff;
	v11 =	vadd.s32 $0x48, v13  }
0xa7: {  	v3 =	vld.idx.msk [tilespmem:v3+s3+$0x0], $0xffff;
	[tilespmem:s29+$0xFFFFFC00] =	vst v10;
	v10 =	vadd.s32 $0x90, v13  }
0xa8: {  	[tilespmem:s29+$0xFFFFFC80] =	vst v8;
	v8 =	vld.idx.msk [tilespmem:v2+s3+$0x0], $0xffff;
	v12 =	vadd.s32 $0xD8, v13  }
0xa9: {  	[tilespmem:s29+$0xFFFFFD00] =	vst v7;
	v7 =	vadd.s32 $0x120, v13;
	v2 =	vld.idx.msk [tilespmem:v13+s3+$0x0], $0xffff  }
0xaa: {  	[tilespmem:s29+$0xFFFFFD80] =	vst v9;
	v9 =	vadd.s32 $0x168, v13;
	v6 =	vld.idx.msk [tilespmem:v6+s3+$0x0], $0xffff  }
0xab: {  	[tilespmem:s29+$0xFFFFFE80] =	vst v4;
	v4 =	vadd.s32 $0x1F8, v13;
	v14 =	vld.idx.msk [tilespmem:v11+s3+$0x0], $0xffff  }
0xac: {  	[tilespmem:s29+$0xFFFFFE00] =	vst v5;
	v5 =	vadd.s32 $0x1B0, v13;
	v15 =	vld.idx.msk [tilespmem:v10+s3+$0x0], $0xffff  }
0xad: {  	[tilespmem:s29+$0xFFFFFF00] =	vst v3;
	v3 =	vadd.s32 $0x240, v13;
	v16 =	vld.idx.msk [tilespmem:v12+s3+$0x0], $0xffff  }
0xae: {  	[tilespmem:s29+$0xFFFFF880] =	vst v1;
	v17 =	vadd.s32 $0x288, v13;
	v18 =	vld.idx.msk [tilespmem:v7+s3+$0x0], $0xffff  }
0xaf: {  	[tilespmem:s29+$0xFFFFFF80] =	vst v8;
	v19 =	vadd.s32 $0x2D0, v13;
	v12 =	vld.idx.msk [tilespmem:v9+s3+$0x0], $0xffff  }
0xb0: {  	v10 =	vld.idx.msk [tilespmem:v4+s3+$0x0], $0xffff;
	[tilespmem:s26+$0x0] =	vst v6;
	v6 =	vadd.s32 $0x318, v13  }
0xb1: {  	v11 =	vld.idx.msk [tilespmem:v5+s3+$0x0], $0xffff;
	v5 =	vadd.s32 $0x360, v13;
	[tilespmem:s26+$0xFFFFF900] =	vst v14  }
0xb2: {  	v8 =	vld.idx.msk [tilespmem:v3+s3+$0x0], $0xffff;
	v3 =	vadd.s32 $0x3A8, v13;
	[tilespmem:s26+$0xFFFFF980] =	vst v15  }
0xb3: {  	v1 =	vadd.s32 $0x3F0, v13;
	v7 =	vld.idx.msk [tilespmem:v17+s3+$0x0], $0xffff;
	[tilespmem:s26+$0xFFFFFA00] =	vst v16  }
0xb4: {  	s30 =	simm.s32 $0x0;
	s29 =	smov.u32 s26;
	v9 =	vld.idx.msk [tilespmem:v19+s3+$0x0], $0xffff;
	v4 =	vadd.s32 $0x480, v13;
	[tilespmem:s26+$0xFFFFFA80] =	vst v18  }
.LBB2_12:
0xb5: {  	v13 =	vadd.s32 $0x48, v4;
	v14 =	vadd.s32 $0x90, v4;
	v15 =	vadd.s32 $0x438, v4;
	s30 =	sadd.s32 $0x10, s30;
	[tilespmem:s29+$0xFFFFFB00] =	vst v12;
	v12 =	vld.idx.msk [tilespmem:v6+s3+$0x0], $0xffff  }
0xb6: {  	v16 =	vadd.s32 $0xD8, v4;
	v17 =	vadd.s32 $0x120, v4;
	v18 =	vadd.s32 $0x168, v4;
	p1 =	slt.u32 s30, $0x30;
	[tilespmem:s29+$0xFFFFFB80] =	vst v11;
	v11 =	vld.idx.msk [tilespmem:v5+s3+$0x0], $0xffff  }
0xb7: {  	v19 =	vadd.s32 $0x1B0, v4;
	v20 =	vadd.s32 $0x1F8, v4;
	v21 =	vadd.s32 $0x240, v4;
	[tilespmem:s29+$0xFFFFFC00] =	vst v10;
	v10 =	vld.idx.msk [tilespmem:v3+s3+$0x0], $0xffff  }
0xb8: {  	v22 =	vadd.s32 $0x288, v4;
	v23 =	vadd.s32 $0x2D0, v4;
	v6 =	vadd.s32 $0x318, v4;
	[tilespmem:s29+$0xFFFFFC80] =	vst v8;
	v8 =	vld.idx.msk [tilespmem:v1+s3+$0x0], $0xffff  }
0xb9: {  	v5 =	vadd.s32 $0x360, v4;
	v3 =	vadd.s32 $0x3A8, v4;
	v1 =	vadd.s32 $0x3F0, v4;
	v24 =	vld.idx.msk [tilespmem:v4+s3+$0x0], $0xffff;
	[tilespmem:s29+$0xFFFFFD00] =	vst v7  }
0xba: {  	v7 =	vld.idx.msk [tilespmem:v15+s3+$0x0], $0xffff;
	[tilespmem:s29+$0xFFFFFD80] =	vst v9  }
0xbb: {  	v9 =	vld.idx.msk [tilespmem:v13+s3+$0x0], $0xffff;
	[tilespmem:s29+$0xFFFFFE00] =	vst v12  }
0xbc: {  	v13 =	vld.idx.msk [tilespmem:v14+s3+$0x0], $0xffff;
	[tilespmem:s29+$0xFFFFFE80] =	vst v11  }
0xbd: {  	v14 =	vld.idx.msk [tilespmem:v16+s3+$0x0], $0xffff;
	[tilespmem:s29+$0xFFFFFF00] =	vst v10  }
0xbe: {  	v15 =	vld.idx.msk [tilespmem:v17+s3+$0x0], $0xffff;
	[tilespmem:s29+$0xFFFFFF80] =	vst v8  }
0xbf: {  	v12 =	vld.idx.msk [tilespmem:v18+s3+$0x0], $0xffff;
	[tilespmem:s29+$0xFFFFF880] =	vst v2;
	s29 =	sadd.s32 $0x800, s29;
	v2 =	vmov v24  }
.Ltmp4:
0xc0: {  	v11 =	vld.idx.msk [tilespmem:v19+s3+$0x0], $0xffff;
	[tilespmem:s29+$0x0] =	vst v7;
	(pc) =	sbr.rel @p1 .LBB2_12-.Ltmp4, $4  }
0xc1: {  	[tilespmem:s29+$0xFFFFF900] =	vst v9;
	v10 =	vld.idx.msk [tilespmem:v20+s3+$0x0], $0xffff  }
0xc2: {  	[tilespmem:s29+$0xFFFFF980] =	vst v13;
	v8 =	vld.idx.msk [tilespmem:v21+s3+$0x0], $0xffff  }
0xc3: {  	[tilespmem:s29+$0xFFFFFA00] =	vst v14;
	v7 =	vld.idx.msk [tilespmem:v22+s3+$0x0], $0xffff  }
0xc4: {  	v4 =	vadd.s32 $0x480, v4;
	[tilespmem:s29+$0xFFFFFA80] =	vst v15;
	v9 =	vld.idx.msk [tilespmem:v23+s3+$0x0], $0xffff  }
0xc5: {  	_ =	sdelay $0x1  }
0xc6: {  	[tilespmem:s29+$0xFFFFFB00] =	vst v12  }
0xc7: {  	[tilespmem:s29+$0xFFFFFB80] =	vst v11  }
0xc8: {  	v4 =	vld.idx.msk [tilespmem:v6+s3+$0x0], $0xffff;
	[tilespmem:s29+$0xFFFFF880] =	vst v2  }
0xc9: {  	v5 =	vld.idx.msk [tilespmem:v5+s3+$0x0], $0xffff;
	[tilespmem:s29+$0xFFFFFC00] =	vst v10  }
0xca: {  	v3 =	vld.idx.msk [tilespmem:v3+s3+$0x0], $0xffff;
	[tilespmem:s29+$0xFFFFFC80] =	vst v8  }
0xcb: {  	v1 =	vld.idx.msk [tilespmem:v1+s3+$0x0], $0xffff;
	p1 =	slt.u32 s28, $0x6;
	[tilespmem:s29+$0xFFFFFD00] =	vst v7  }
.Ltmp5:
0xcc: {  	[tilespmem:s29+$0xFFFFFD80] =	vst v9;
	(pc) =	sbr.rel @p1 .LBB2_9-.Ltmp5, $4  }
0xcd: {  	[tilespmem:s29+$0xFFFFFE00] =	vst v4  }
0xce: {  	[tilespmem:s29+$0xFFFFFE80] =	vst v5  }
0xcf: {  	[tilespmem:s29+$0xFFFFFF00] =	vst v3  }
0xd0: {  	s28 =	sadd.s32 $0x2, s28;
	s25 =	sadd.s32 $0x20, s25;
	s26 =	sadd.s32 $0x20, s26;
	[tilespmem:s29+$0xFFFFFF80] =	vst v1  }
0xd1: {  	s23 =	sshll.u32 s23, $0x12  }
0xd2: {  	s23 =	sor.u32 s4, s23  }
0xd3: {  	s23 =	sshrl.u32 s23, $0x3  }
0xd4: {  	s23 =	sadd.s32 s2, s23  }
0xd5: {  	[hbm4b:s23+s9] =	stream.strided.scatter [tilespmem:s13], [sflag:$0x2], $0x2000, s10, s9, $0x38;
	[tilespmem:$0xF600] =	vst v63  }
0xd6: {  	s24 =	simm.s32 @!p0 $0x3;
	s23 =	sor.u32 $0x2, s22  }
0xd7: {  	_ =	swait.ge @!p0 [sflag:s24], $0x2000;
	s25 =	sshll.u32 s23, $0x7  }
0xd8: {  	[sflag:s24] =	ssyncset.done @!p0 $0x0;
	s25 =	sand.u32 $0x3FFFFF80, s25  }
0xd9: {  	[sflag:s24] =	ssyncadd.s32 @!p0 $0xFFFFE000;
	s24 =	sadd.s32 $0x1200, s25  }
0xda: {  	s28 =	simm.s32 $0x0;
	s26 =	simm.s32 $0xBD90;
	s25 =	simm.s32 $0xBD80;
	v0 =	vmov s24  }
.LBB2_15:
0xdb: {  	_ =	sdelay $0x2  }
0xdc: {  	s29 =	sshll.u32 s28, $0x4  }
0xdd: {  	v1 =	vld.idx.msk [tilespmem:v0+s29+$0x0 ss:$0x1], $0xffff;
	_ =	sdelay $0x4  }
0xde: {  	vm0 =	vgt.s32 v1, $0x0  }
0xdf: {  	v1 =	vnsel vm0, $0x0, v1  }
0xe0: {  	v5 =	vmin.u32 v1, $0x47  }
0xe1: {  	v2 =	vadd.s32 $0x438, v5  }
0xe2: {  	v3 =	vadd.s32 $0x48, v5  }
0xe3: {  	v4 =	vadd.s32 $0x90, v5  }
0xe4: {  	v6 =	vadd.s32 $0xD8, v5  }
0xe5: {  	v7 =	vadd.s32 $0x120, v5;
	v1 =	vld.idx.msk [tilespmem:v5+s3+$0x0], $0xffff  }
0xe6: {  	v8 =	vadd.s32 $0x168, v5;
	v2 =	vld.idx.msk [tilespmem:v2+s3+$0x0], $0xffff  }
0xe7: {  	v9 =	vadd.s32 $0x1B0, v5;
	v3 =	vld.idx.msk [tilespmem:v3+s3+$0x0], $0xffff  }
0xe8: {  	v10 =	vadd.s32 $0x1F8, v5;
	v4 =	vld.idx.msk [tilespmem:v4+s3+$0x0], $0xffff  }
0xe9: {  	v13 =	vadd.s32 $0x240, v5;
	v14 =	vld.idx.msk [tilespmem:v6+s3+$0x0], $0xffff  }
0xea: {  	v15 =	vadd.s32 $0x288, v5;
	v16 =	vld.idx.msk [tilespmem:v7+s3+$0x0], $0xffff  }
0xeb: {  	v17 =	vadd.s32 $0x2D0, v5;
	v12 =	vld.idx.msk [tilespmem:v8+s3+$0x0], $0xffff  }
0xec: {  	v11 =	vld.idx.msk [tilespmem:v9+s3+$0x0], $0xffff;
	v6 =	vadd.s32 $0x318, v5;
	[tilespmem:s25+$0x0] =	vst v2  }
0xed: {  	v10 =	vld.idx.msk [tilespmem:v10+s3+$0x0], $0xffff;
	[tilespmem:s25+$0xFFFFF980] =	vst v4;
	v4 =	vadd.s32 $0x360, v5  }
0xee: {  	v8 =	vld.idx.msk [tilespmem:v13+s3+$0x0], $0xffff;
	[tilespmem:s25+$0xFFFFF900] =	vst v3;
	v3 =	vadd.s32 $0x3A8, v5  }
0xef: {  	v7 =	vld.idx.msk [tilespmem:v15+s3+$0x0], $0xffff;
	[tilespmem:s25+$0xFFFFFA00] =	vst v14;
	v2 =	vadd.s32 $0x3F0, v5  }
0xf0: {  	s31 =	simm.s32 $0x0;
	s30 =	sadd.s32 s29, s24;
	s29 =	smov.u32 s25;
	v9 =	vld.idx.msk [tilespmem:v17+s3+$0x0], $0xffff;
	[tilespmem:s25+$0xFFFFFA80] =	vst v16;
	v5 =	vadd.s32 $0x480, v5  }
.LBB2_16:
0xf1: {  	v13 =	vadd.s32 $0x48, v5;
	v14 =	vadd.s32 $0x90, v5;
	v15 =	vadd.s32 $0x438, v5;
	s31 =	sadd.s32 $0x10, s31;
	[tilespmem:s29+$0xFFFFFB00] =	vst v12;
	v12 =	vld.idx.msk [tilespmem:v6+s3+$0x0], $0xffff  }
0xf2: {  	v16 =	vadd.s32 $0xD8, v5;
	v17 =	vadd.s32 $0x120, v5;
	v18 =	vadd.s32 $0x168, v5;
	p1 =	slt.u32 s31, $0x30;
	[tilespmem:s29+$0xFFFFFB80] =	vst v11;
	v11 =	vld.idx.msk [tilespmem:v4+s3+$0x0], $0xffff  }
0xf3: {  	v19 =	vadd.s32 $0x1B0, v5;
	v20 =	vadd.s32 $0x1F8, v5;
	v21 =	vadd.s32 $0x240, v5;
	[tilespmem:s29+$0xFFFFFC00] =	vst v10;
	v10 =	vld.idx.msk [tilespmem:v3+s3+$0x0], $0xffff  }
0xf4: {  	v22 =	vadd.s32 $0x288, v5;
	v23 =	vadd.s32 $0x2D0, v5;
	v6 =	vadd.s32 $0x318, v5;
	[tilespmem:s29+$0xFFFFFC80] =	vst v8;
	v8 =	vld.idx.msk [tilespmem:v2+s3+$0x0], $0xffff  }
0xf5: {  	v4 =	vadd.s32 $0x360, v5;
	v3 =	vadd.s32 $0x3A8, v5;
	v2 =	vadd.s32 $0x3F0, v5;
	v24 =	vld.idx.msk [tilespmem:v5+s3+$0x0], $0xffff;
	[tilespmem:s29+$0xFFFFFD00] =	vst v7  }
0xf6: {  	v7 =	vld.idx.msk [tilespmem:v15+s3+$0x0], $0xffff;
	[tilespmem:s29+$0xFFFFFD80] =	vst v9  }
0xf7: {  	v9 =	vld.idx.msk [tilespmem:v13+s3+$0x0], $0xffff;
	[tilespmem:s29+$0xFFFFFE00] =	vst v12  }
0xf8: {  	v13 =	vld.idx.msk [tilespmem:v14+s3+$0x0], $0xffff;
	[tilespmem:s29+$0xFFFFFE80] =	vst v11  }
0xf9: {  	v14 =	vld.idx.msk [tilespmem:v16+s3+$0x0], $0xffff;
	[tilespmem:s29+$0xFFFFFF00] =	vst v10  }
0xfa: {  	v15 =	vld.idx.msk [tilespmem:v17+s3+$0x0], $0xffff;
	[tilespmem:s29+$0xFFFFFF80] =	vst v8  }
0xfb: {  	v12 =	vld.idx.msk [tilespmem:v18+s3+$0x0], $0xffff;
	[tilespmem:s29+$0xFFFFF880] =	vst v1;
	s29 =	sadd.s32 $0x800, s29;
	v1 =	vmov v24  }
.Ltmp6:
0xfc: {  	v11 =	vld.idx.msk [tilespmem:v19+s3+$0x0], $0xffff;
	[tilespmem:s29+$0x0] =	vst v7;
	(pc) =	sbr.rel @p1 .LBB2_16-.Ltmp6, $4  }
0xfd: {  	[tilespmem:s29+$0xFFFFF900] =	vst v9;
	v10 =	vld.idx.msk [tilespmem:v20+s3+$0x0], $0xffff  }
0xfe: {  	[tilespmem:s29+$0xFFFFF980] =	vst v13;
	v8 =	vld.idx.msk [tilespmem:v21+s3+$0x0], $0xffff  }
0xff: {  	[tilespmem:s29+$0xFFFFFA00] =	vst v14;
	v7 =	vld.idx.msk [tilespmem:v22+s3+$0x0], $0xffff  }
0x100: {  	v5 =	vadd.s32 $0x480, v5;
	[tilespmem:s29+$0xFFFFFA80] =	vst v15;
	v9 =	vld.idx.msk [tilespmem:v23+s3+$0x0], $0xffff  }
0x101: {  	v5 =	vld [tilespmem:s30+$0x10];
	_ =	sdelay $0x4  }
0x102: {  	vm0 =	vgt.s32 v5, $0x0  }
0x103: {  	v5 =	vnsel vm0, $0x0, v5  }
0x104: {  	v13 =	vmin.u32 v5, $0x47  }
0x105: {  	[tilespmem:s29+$0xFFFFFB00] =	vst v12;
	v5 =	vld.idx.msk [tilespmem:v6+s3+$0x0], $0xffff;
	v6 =	vadd.s32 $0x438, v13  }
0x106: {  	[tilespmem:s29+$0xFFFFFB80] =	vst v11;
	v4 =	vld.idx.msk [tilespmem:v4+s3+$0x0], $0xffff;
	v11 =	vadd.s32 $0x48, v13  }
0x107: {  	v3 =	vld.idx.msk [tilespmem:v3+s3+$0x0], $0xffff;
	[tilespmem:s29+$0xFFFFFC00] =	vst v10;
	v10 =	vadd.s32 $0x90, v13  }
0x108: {  	[tilespmem:s29+$0xFFFFFC80] =	vst v8;
	v8 =	vld.idx.msk [tilespmem:v2+s3+$0x0], $0xffff;
	v12 =	vadd.s32 $0xD8, v13  }
0x109: {  	[tilespmem:s29+$0xFFFFFD00] =	vst v7;
	v7 =	vadd.s32 $0x120, v13;
	v2 =	vld.idx.msk [tilespmem:v13+s3+$0x0], $0xffff  }
0x10a: {  	[tilespmem:s29+$0xFFFFFD80] =	vst v9;
	v9 =	vadd.s32 $0x168, v13;
	v6 =	vld.idx.msk [tilespmem:v6+s3+$0x0], $0xffff  }
0x10b: {  	[tilespmem:s29+$0xFFFFFE80] =	vst v4;
	v4 =	vadd.s32 $0x1F8, v13;
	v14 =	vld.idx.msk [tilespmem:v11+s3+$0x0], $0xffff  }
0x10c: {  	[tilespmem:s29+$0xFFFFFE00] =	vst v5;
	v5 =	vadd.s32 $0x1B0, v13;
	v15 =	vld.idx.msk [tilespmem:v10+s3+$0x0], $0xffff  }
0x10d: {  	[tilespmem:s29+$0xFFFFFF00] =	vst v3;
	v3 =	vadd.s32 $0x240, v13;
	v16 =	vld.idx.msk [tilespmem:v12+s3+$0x0], $0xffff  }
0x10e: {  	[tilespmem:s29+$0xFFFFF880] =	vst v1;
	v17 =	vadd.s32 $0x288, v13;
	v18 =	vld.idx.msk [tilespmem:v7+s3+$0x0], $0xffff  }
0x10f: {  	[tilespmem:s29+$0xFFFFFF80] =	vst v8;
	v19 =	vadd.s32 $0x2D0, v13;
	v12 =	vld.idx.msk [tilespmem:v9+s3+$0x0], $0xffff  }
0x110: {  	v10 =	vld.idx.msk [tilespmem:v4+s3+$0x0], $0xffff;
	[tilespmem:s26+$0x0] =	vst v6;
	v6 =	vadd.s32 $0x318, v13  }
0x111: {  	v11 =	vld.idx.msk [tilespmem:v5+s3+$0x0], $0xffff;
	v5 =	vadd.s32 $0x360, v13;
	[tilespmem:s26+$0xFFFFF900] =	vst v14  }
0x112: {  	v8 =	vld.idx.msk [tilespmem:v3+s3+$0x0], $0xffff;
	v3 =	vadd.s32 $0x3A8, v13;
	[tilespmem:s26+$0xFFFFF980] =	vst v15  }
0x113: {  	v1 =	vadd.s32 $0x3F0, v13;
	v7 =	vld.idx.msk [tilespmem:v17+s3+$0x0], $0xffff;
	[tilespmem:s26+$0xFFFFFA00] =	vst v16  }
0x114: {  	s30 =	simm.s32 $0x0;
	s29 =	smov.u32 s26;
	v9 =	vld.idx.msk [tilespmem:v19+s3+$0x0], $0xffff;
	v4 =	vadd.s32 $0x480, v13;
	[tilespmem:s26+$0xFFFFFA80] =	vst v18  }
.LBB2_18:
0x115: {  	v13 =	vadd.s32 $0x48, v4;
	v14 =	vadd.s32 $0x90, v4;
	v15 =	vadd.s32 $0x438, v4;
	s30 =	sadd.s32 $0x10, s30;
	[tilespmem:s29+$0xFFFFFB00] =	vst v12;
	v12 =	vld.idx.msk [tilespmem:v6+s3+$0x0], $0xffff  }
0x116: {  	v16 =	vadd.s32 $0xD8, v4;
	v17 =	vadd.s32 $0x120, v4;
	v18 =	vadd.s32 $0x168, v4;
	p1 =	slt.u32 s30, $0x30;
	[tilespmem:s29+$0xFFFFFB80] =	vst v11;
	v11 =	vld.idx.msk [tilespmem:v5+s3+$0x0], $0xffff  }
0x117: {  	v19 =	vadd.s32 $0x1B0, v4;
	v20 =	vadd.s32 $0x1F8, v4;
	v21 =	vadd.s32 $0x240, v4;
	[tilespmem:s29+$0xFFFFFC00] =	vst v10;
	v10 =	vld.idx.msk [tilespmem:v3+s3+$0x0], $0xffff  }
0x118: {  	v22 =	vadd.s32 $0x288, v4;
	v23 =	vadd.s32 $0x2D0, v4;
	v6 =	vadd.s32 $0x318, v4;
	[tilespmem:s29+$0xFFFFFC80] =	vst v8;
	v8 =	vld.idx.msk [tilespmem:v1+s3+$0x0], $0xffff  }
0x119: {  	v5 =	vadd.s32 $0x360, v4;
	v3 =	vadd.s32 $0x3A8, v4;
	v1 =	vadd.s32 $0x3F0, v4;
	v24 =	vld.idx.msk [tilespmem:v4+s3+$0x0], $0xffff;
	[tilespmem:s29+$0xFFFFFD00] =	vst v7  }
0x11a: {  	v7 =	vld.idx.msk [tilespmem:v15+s3+$0x0], $0xffff;
	[tilespmem:s29+$0xFFFFFD80] =	vst v9  }
0x11b: {  	v9 =	vld.idx.msk [tilespmem:v13+s3+$0x0], $0xffff;
	[tilespmem:s29+$0xFFFFFE00] =	vst v12  }
0x11c: {  	v13 =	vld.idx.msk [tilespmem:v14+s3+$0x0], $0xffff;
	[tilespmem:s29+$0xFFFFFE80] =	vst v11  }
0x11d: {  	v14 =	vld.idx.msk [tilespmem:v16+s3+$0x0], $0xffff;
	[tilespmem:s29+$0xFFFFFF00] =	vst v10  }
0x11e: {  	v15 =	vld.idx.msk [tilespmem:v17+s3+$0x0], $0xffff;
	[tilespmem:s29+$0xFFFFFF80] =	vst v8  }
0x11f: {  	v12 =	vld.idx.msk [tilespmem:v18+s3+$0x0], $0xffff;
	[tilespmem:s29+$0xFFFFF880] =	vst v2;
	s29 =	sadd.s32 $0x800, s29;
	v2 =	vmov v24  }
.Ltmp7:
0x120: {  	v11 =	vld.idx.msk [tilespmem:v19+s3+$0x0], $0xffff;
	[tilespmem:s29+$0x0] =	vst v7;
	(pc) =	sbr.rel @p1 .LBB2_18-.Ltmp7, $4  }
0x121: {  	[tilespmem:s29+$0xFFFFF900] =	vst v9;
	v10 =	vld.idx.msk [tilespmem:v20+s3+$0x0], $0xffff  }
0x122: {  	[tilespmem:s29+$0xFFFFF980] =	vst v13;
	v8 =	vld.idx.msk [tilespmem:v21+s3+$0x0], $0xffff  }
0x123: {  	[tilespmem:s29+$0xFFFFFA00] =	vst v14;
	v7 =	vld.idx.msk [tilespmem:v22+s3+$0x0], $0xffff  }
0x124: {  	v4 =	vadd.s32 $0x480, v4;
	[tilespmem:s29+$0xFFFFFA80] =	vst v15;
	v9 =	vld.idx.msk [tilespmem:v23+s3+$0x0], $0xffff  }
0x125: {  	_ =	sdelay $0x1  }
0x126: {  	[tilespmem:s29+$0xFFFFFB00] =	vst v12  }
0x127: {  	[tilespmem:s29+$0xFFFFFB80] =	vst v11  }
0x128: {  	v4 =	vld.idx.msk [tilespmem:v6+s3+$0x0], $0xffff;
	[tilespmem:s29+$0xFFFFF880] =	vst v2  }
0x129: {  	v5 =	vld.idx.msk [tilespmem:v5+s3+$0x0], $0xffff;
	[tilespmem:s29+$0xFFFFFC00] =	vst v10  }
0x12a: {  	v3 =	vld.idx.msk [tilespmem:v3+s3+$0x0], $0xffff;
	[tilespmem:s29+$0xFFFFFC80] =	vst v8  }
0x12b: {  	v1 =	vld.idx.msk [tilespmem:v1+s3+$0x0], $0xffff;
	p1 =	slt.u32 s28, $0x6;
	[tilespmem:s29+$0xFFFFFD00] =	vst v7  }
.Ltmp8:
0x12c: {  	[tilespmem:s29+$0xFFFFFD80] =	vst v9;
	(pc) =	sbr.rel @p1 .LBB2_15-.Ltmp8, $4  }
0x12d: {  	[tilespmem:s29+$0xFFFFFE00] =	vst v4  }
0x12e: {  	[tilespmem:s29+$0xFFFFFE80] =	vst v5  }
0x12f: {  	[tilespmem:s29+$0xFFFFFF00] =	vst v3  }
0x130: {  	s28 =	sadd.s32 $0x2, s28;
	s25 =	sadd.s32 $0x20, s25;
	s26 =	sadd.s32 $0x20, s26;
	[tilespmem:s29+$0xFFFFFF80] =	vst v1  }
0x131: {  	s23 =	sshll.u32 s23, $0x12  }
0x132: {  	s23 =	sor.u32 s4, s23  }
0x133: {  	s23 =	sshrl.u32 s23, $0x3  }
0x134: {  	s23 =	sadd.s32 s2, s23  }
0x135: {  	[hbm4b:s23+s9] =	stream.strided.scatter [tilespmem:s14], [sflag:$0x3], $0x2000, s10, s9, $0x38;
	[tilespmem:$0xF600] =	vst v63  }
0x136: {  	s22 =	sor.u32 $0x3, s22;
	s23 =	simm.s32 @!p0 $0x4  }
0x137: {  	s24 =	sshll.u32 s22, $0x7;
	_ =	swait.ge @!p0 [sflag:s23], $0x2000  }
0x138: {  	s24 =	sand.u32 $0x3FFFFF80, s24;
	[sflag:s23] =	ssyncset.done @!p0 $0x0  }
0x139: {  	[sflag:s23] =	ssyncadd.s32 @!p0 $0xFFFFE000;
	s23 =	sadd.s32 $0x1200, s24  }
0x13a: {  	s26 =	simm.s32 $0x0;
	s25 =	simm.s32 $0xDD90;
	s24 =	simm.s32 $0xDD80;
	v0 =	vmov s23  }
.LBB2_21:
0x13b: {  	_ =	sdelay $0x2  }
0x13c: {  	s28 =	sshll.u32 s26, $0x4  }
0x13d: {  	v1 =	vld.idx.msk [tilespmem:v0+s28+$0x0 ss:$0x1], $0xffff;
	_ =	sdelay $0x4  }
0x13e: {  	vm0 =	vgt.s32 v1, $0x0  }
0x13f: {  	v1 =	vnsel vm0, $0x0, v1  }
0x140: {  	v5 =	vmin.u32 v1, $0x47  }
0x141: {  	v2 =	vadd.s32 $0x438, v5  }
0x142: {  	v3 =	vadd.s32 $0x48, v5  }
0x143: {  	v4 =	vadd.s32 $0x90, v5  }
0x144: {  	v6 =	vadd.s32 $0xD8, v5  }
0x145: {  	v7 =	vadd.s32 $0x120, v5;
	v1 =	vld.idx.msk [tilespmem:v5+s3+$0x0], $0xffff  }
0x146: {  	v8 =	vadd.s32 $0x168, v5;
	v2 =	vld.idx.msk [tilespmem:v2+s3+$0x0], $0xffff  }
0x147: {  	v9 =	vadd.s32 $0x1B0, v5;
	v3 =	vld.idx.msk [tilespmem:v3+s3+$0x0], $0xffff  }
0x148: {  	v10 =	vadd.s32 $0x1F8, v5;
	v4 =	vld.idx.msk [tilespmem:v4+s3+$0x0], $0xffff  }
0x149: {  	v13 =	vadd.s32 $0x240, v5;
	v14 =	vld.idx.msk [tilespmem:v6+s3+$0x0], $0xffff  }
0x14a: {  	v15 =	vadd.s32 $0x288, v5;
	v16 =	vld.idx.msk [tilespmem:v7+s3+$0x0], $0xffff  }
0x14b: {  	v17 =	vadd.s32 $0x2D0, v5;
	v12 =	vld.idx.msk [tilespmem:v8+s3+$0x0], $0xffff  }
0x14c: {  	v11 =	vld.idx.msk [tilespmem:v9+s3+$0x0], $0xffff;
	v6 =	vadd.s32 $0x318, v5;
	[tilespmem:s24+$0x0] =	vst v2  }
0x14d: {  	v10 =	vld.idx.msk [tilespmem:v10+s3+$0x0], $0xffff;
	[tilespmem:s24+$0xFFFFF980] =	vst v4;
	v4 =	vadd.s32 $0x360, v5  }
0x14e: {  	v8 =	vld.idx.msk [tilespmem:v13+s3+$0x0], $0xffff;
	[tilespmem:s24+$0xFFFFF900] =	vst v3;
	v3 =	vadd.s32 $0x3A8, v5  }
0x14f: {  	v7 =	vld.idx.msk [tilespmem:v15+s3+$0x0], $0xffff;
	[tilespmem:s24+$0xFFFFFA00] =	vst v14;
	v2 =	vadd.s32 $0x3F0, v5  }
0x150: {  	s30 =	simm.s32 $0x0;
	s29 =	sadd.s32 s28, s23;
	s28 =	smov.u32 s24;
	v9 =	vld.idx.msk [tilespmem:v17+s3+$0x0], $0xffff;
	[tilespmem:s24+$0xFFFFFA80] =	vst v16;
	v5 =	vadd.s32 $0x480, v5  }
.LBB2_22:
0x151: {  	v13 =	vadd.s32 $0x48, v5;
	v14 =	vadd.s32 $0x90, v5;
	v15 =	vadd.s32 $0x438, v5;
	s30 =	sadd.s32 $0x10, s30;
	[tilespmem:s28+$0xFFFFFB00] =	vst v12;
	v12 =	vld.idx.msk [tilespmem:v6+s3+$0x0], $0xffff  }
0x152: {  	v16 =	vadd.s32 $0xD8, v5;
	v17 =	vadd.s32 $0x120, v5;
	v18 =	vadd.s32 $0x168, v5;
	p0 =	slt.u32 s30, $0x30;
	[tilespmem:s28+$0xFFFFFB80] =	vst v11;
	v11 =	vld.idx.msk [tilespmem:v4+s3+$0x0], $0xffff  }
0x153: {  	v19 =	vadd.s32 $0x1B0, v5;
	v20 =	vadd.s32 $0x1F8, v5;
	v21 =	vadd.s32 $0x240, v5;
	[tilespmem:s28+$0xFFFFFC00] =	vst v10;
	v10 =	vld.idx.msk [tilespmem:v3+s3+$0x0], $0xffff  }
0x154: {  	v22 =	vadd.s32 $0x288, v5;
	v23 =	vadd.s32 $0x2D0, v5;
	v6 =	vadd.s32 $0x318, v5;
	[tilespmem:s28+$0xFFFFFC80] =	vst v8;
	v8 =	vld.idx.msk [tilespmem:v2+s3+$0x0], $0xffff  }
0x155: {  	v4 =	vadd.s32 $0x360, v5;
	v3 =	vadd.s32 $0x3A8, v5;
	v2 =	vadd.s32 $0x3F0, v5;
	v24 =	vld.idx.msk [tilespmem:v5+s3+$0x0], $0xffff;
	[tilespmem:s28+$0xFFFFFD00] =	vst v7  }
0x156: {  	v7 =	vld.idx.msk [tilespmem:v15+s3+$0x0], $0xffff;
	[tilespmem:s28+$0xFFFFFD80] =	vst v9  }
0x157: {  	v9 =	vld.idx.msk [tilespmem:v13+s3+$0x0], $0xffff;
	[tilespmem:s28+$0xFFFFFE00] =	vst v12  }
0x158: {  	v13 =	vld.idx.msk [tilespmem:v14+s3+$0x0], $0xffff;
	[tilespmem:s28+$0xFFFFFE80] =	vst v11  }
0x159: {  	v14 =	vld.idx.msk [tilespmem:v16+s3+$0x0], $0xffff;
	[tilespmem:s28+$0xFFFFFF00] =	vst v10  }
0x15a: {  	v15 =	vld.idx.msk [tilespmem:v17+s3+$0x0], $0xffff;
	[tilespmem:s28+$0xFFFFFF80] =	vst v8  }
0x15b: {  	v12 =	vld.idx.msk [tilespmem:v18+s3+$0x0], $0xffff;
	[tilespmem:s28+$0xFFFFF880] =	vst v1;
	s28 =	sadd.s32 $0x800, s28;
	v1 =	vmov v24  }
.Ltmp9:
0x15c: {  	v11 =	vld.idx.msk [tilespmem:v19+s3+$0x0], $0xffff;
	[tilespmem:s28+$0x0] =	vst v7;
	(pc) =	sbr.rel @p0 .LBB2_22-.Ltmp9, $4  }
0x15d: {  	[tilespmem:s28+$0xFFFFF900] =	vst v9;
	v10 =	vld.idx.msk [tilespmem:v20+s3+$0x0], $0xffff  }
0x15e: {  	[tilespmem:s28+$0xFFFFF980] =	vst v13;
	v8 =	vld.idx.msk [tilespmem:v21+s3+$0x0], $0xffff  }
0x15f: {  	[tilespmem:s28+$0xFFFFFA00] =	vst v14;
	v7 =	vld.idx.msk [tilespmem:v22+s3+$0x0], $0xffff  }
0x160: {  	v5 =	vadd.s32 $0x480, v5;
	[tilespmem:s28+$0xFFFFFA80] =	vst v15;
	v9 =	vld.idx.msk [tilespmem:v23+s3+$0x0], $0xffff  }
0x161: {  	v5 =	vld [tilespmem:s29+$0x10];
	_ =	sdelay $0x4  }
0x162: {  	vm0 =	vgt.s32 v5, $0x0  }
0x163: {  	v5 =	vnsel vm0, $0x0, v5  }
0x164: {  	v13 =	vmin.u32 v5, $0x47  }
0x165: {  	[tilespmem:s28+$0xFFFFFB00] =	vst v12;
	v5 =	vld.idx.msk [tilespmem:v6+s3+$0x0], $0xffff;
	v6 =	vadd.s32 $0x438, v13  }
0x166: {  	[tilespmem:s28+$0xFFFFFB80] =	vst v11;
	v4 =	vld.idx.msk [tilespmem:v4+s3+$0x0], $0xffff;
	v11 =	vadd.s32 $0x48, v13  }
0x167: {  	v3 =	vld.idx.msk [tilespmem:v3+s3+$0x0], $0xffff;
	[tilespmem:s28+$0xFFFFFC00] =	vst v10;
	v10 =	vadd.s32 $0x90, v13  }
0x168: {  	[tilespmem:s28+$0xFFFFFC80] =	vst v8;
	v8 =	vld.idx.msk [tilespmem:v2+s3+$0x0], $0xffff;
	v12 =	vadd.s32 $0xD8, v13  }
0x169: {  	[tilespmem:s28+$0xFFFFFD00] =	vst v7;
	v7 =	vadd.s32 $0x120, v13;
	v2 =	vld.idx.msk [tilespmem:v13+s3+$0x0], $0xffff  }
0x16a: {  	[tilespmem:s28+$0xFFFFFD80] =	vst v9;
	v9 =	vadd.s32 $0x168, v13;
	v6 =	vld.idx.msk [tilespmem:v6+s3+$0x0], $0xffff  }
0x16b: {  	[tilespmem:s28+$0xFFFFFE80] =	vst v4;
	v4 =	vadd.s32 $0x1F8, v13;
	v14 =	vld.idx.msk [tilespmem:v11+s3+$0x0], $0xffff  }
0x16c: {  	[tilespmem:s28+$0xFFFFFE00] =	vst v5;
	v5 =	vadd.s32 $0x1B0, v13;
	v15 =	vld.idx.msk [tilespmem:v10+s3+$0x0], $0xffff  }
0x16d: {  	[tilespmem:s28+$0xFFFFFF00] =	vst v3;
	v3 =	vadd.s32 $0x240, v13;
	v16 =	vld.idx.msk [tilespmem:v12+s3+$0x0], $0xffff  }
0x16e: {  	[tilespmem:s28+$0xFFFFF880] =	vst v1;
	v17 =	vadd.s32 $0x288, v13;
	v18 =	vld.idx.msk [tilespmem:v7+s3+$0x0], $0xffff  }
0x16f: {  	[tilespmem:s28+$0xFFFFFF80] =	vst v8;
	v19 =	vadd.s32 $0x2D0, v13;
	v12 =	vld.idx.msk [tilespmem:v9+s3+$0x0], $0xffff  }
0x170: {  	v10 =	vld.idx.msk [tilespmem:v4+s3+$0x0], $0xffff;
	[tilespmem:s25+$0x0] =	vst v6;
	v6 =	vadd.s32 $0x318, v13  }
0x171: {  	v11 =	vld.idx.msk [tilespmem:v5+s3+$0x0], $0xffff;
	v5 =	vadd.s32 $0x360, v13;
	[tilespmem:s25+$0xFFFFF900] =	vst v14  }
0x172: {  	v8 =	vld.idx.msk [tilespmem:v3+s3+$0x0], $0xffff;
	v3 =	vadd.s32 $0x3A8, v13;
	[tilespmem:s25+$0xFFFFF980] =	vst v15  }
0x173: {  	v1 =	vadd.s32 $0x3F0, v13;
	v7 =	vld.idx.msk [tilespmem:v17+s3+$0x0], $0xffff;
	[tilespmem:s25+$0xFFFFFA00] =	vst v16  }
0x174: {  	s29 =	simm.s32 $0x0;
	s28 =	smov.u32 s25;
	v9 =	vld.idx.msk [tilespmem:v19+s3+$0x0], $0xffff;
	v4 =	vadd.s32 $0x480, v13;
	[tilespmem:s25+$0xFFFFFA80] =	vst v18  }
.LBB2_24:
0x175: {  	v13 =	vadd.s32 $0x48, v4;
	v14 =	vadd.s32 $0x90, v4;
	v15 =	vadd.s32 $0x438, v4;
	s29 =	sadd.s32 $0x10, s29;
	[tilespmem:s28+$0xFFFFFB00] =	vst v12;
	v12 =	vld.idx.msk [tilespmem:v6+s3+$0x0], $0xffff  }
0x176: {  	v16 =	vadd.s32 $0xD8, v4;
	v17 =	vadd.s32 $0x120, v4;
	v18 =	vadd.s32 $0x168, v4;
	p0 =	slt.u32 s29, $0x30;
	[tilespmem:s28+$0xFFFFFB80] =	vst v11;
	v11 =	vld.idx.msk [tilespmem:v5+s3+$0x0], $0xffff  }
0x177: {  	v19 =	vadd.s32 $0x1B0, v4;
	v20 =	vadd.s32 $0x1F8, v4;
	v21 =	vadd.s32 $0x240, v4;
	[tilespmem:s28+$0xFFFFFC00] =	vst v10;
	v10 =	vld.idx.msk [tilespmem:v3+s3+$0x0], $0xffff  }
0x178: {  	v22 =	vadd.s32 $0x288, v4;
	v23 =	vadd.s32 $0x2D0, v4;
	v6 =	vadd.s32 $0x318, v4;
	[tilespmem:s28+$0xFFFFFC80] =	vst v8;
	v8 =	vld.idx.msk [tilespmem:v1+s3+$0x0], $0xffff  }
0x179: {  	v5 =	vadd.s32 $0x360, v4;
	v3 =	vadd.s32 $0x3A8, v4;
	v1 =	vadd.s32 $0x3F0, v4;
	v24 =	vld.idx.msk [tilespmem:v4+s3+$0x0], $0xffff;
	[tilespmem:s28+$0xFFFFFD00] =	vst v7  }
0x17a: {  	v7 =	vld.idx.msk [tilespmem:v15+s3+$0x0], $0xffff;
	[tilespmem:s28+$0xFFFFFD80] =	vst v9  }
0x17b: {  	v9 =	vld.idx.msk [tilespmem:v13+s3+$0x0], $0xffff;
	[tilespmem:s28+$0xFFFFFE00] =	vst v12  }
0x17c: {  	v13 =	vld.idx.msk [tilespmem:v14+s3+$0x0], $0xffff;
	[tilespmem:s28+$0xFFFFFE80] =	vst v11  }
0x17d: {  	v14 =	vld.idx.msk [tilespmem:v16+s3+$0x0], $0xffff;
	[tilespmem:s28+$0xFFFFFF00] =	vst v10  }
0x17e: {  	v15 =	vld.idx.msk [tilespmem:v17+s3+$0x0], $0xffff;
	[tilespmem:s28+$0xFFFFFF80] =	vst v8  }
0x17f: {  	v12 =	vld.idx.msk [tilespmem:v18+s3+$0x0], $0xffff;
	[tilespmem:s28+$0xFFFFF880] =	vst v2;
	s28 =	sadd.s32 $0x800, s28;
	v2 =	vmov v24  }
.Ltmp10:
0x180: {  	v11 =	vld.idx.msk [tilespmem:v19+s3+$0x0], $0xffff;
	[tilespmem:s28+$0x0] =	vst v7;
	(pc) =	sbr.rel @p0 .LBB2_24-.Ltmp10, $4  }
0x181: {  	[tilespmem:s28+$0xFFFFF900] =	vst v9;
	v10 =	vld.idx.msk [tilespmem:v20+s3+$0x0], $0xffff  }
0x182: {  	[tilespmem:s28+$0xFFFFF980] =	vst v13;
	v8 =	vld.idx.msk [tilespmem:v21+s3+$0x0], $0xffff  }
0x183: {  	[tilespmem:s28+$0xFFFFFA00] =	vst v14;
	v7 =	vld.idx.msk [tilespmem:v22+s3+$0x0], $0xffff  }
0x184: {  	v4 =	vadd.s32 $0x480, v4;
	[tilespmem:s28+$0xFFFFFA80] =	vst v15;
	v9 =	vld.idx.msk [tilespmem:v23+s3+$0x0], $0xffff  }
0x185: {  	_ =	sdelay $0x1  }
0x186: {  	[tilespmem:s28+$0xFFFFFB00] =	vst v12  }
0x187: {  	[tilespmem:s28+$0xFFFFFB80] =	vst v11  }
0x188: {  	v4 =	vld.idx.msk [tilespmem:v6+s3+$0x0], $0xffff;
	[tilespmem:s28+$0xFFFFF880] =	vst v2  }
0x189: {  	v5 =	vld.idx.msk [tilespmem:v5+s3+$0x0], $0xffff;
	[tilespmem:s28+$0xFFFFFC00] =	vst v10  }
0x18a: {  	v3 =	vld.idx.msk [tilespmem:v3+s3+$0x0], $0xffff;
	[tilespmem:s28+$0xFFFFFC80] =	vst v8  }
0x18b: {  	v1 =	vld.idx.msk [tilespmem:v1+s3+$0x0], $0xffff;
	p0 =	slt.u32 s26, $0x6;
	[tilespmem:s28+$0xFFFFFD00] =	vst v7  }
.Ltmp11:
0x18c: {  	[tilespmem:s28+$0xFFFFFD80] =	vst v9;
	(pc) =	sbr.rel @p0 .LBB2_21-.Ltmp11, $4  }
0x18d: {  	[tilespmem:s28+$0xFFFFFE00] =	vst v4  }
0x18e: {  	[tilespmem:s28+$0xFFFFFE80] =	vst v5  }
0x18f: {  	[tilespmem:s28+$0xFFFFFF00] =	vst v3  }
0x190: {  	s26 =	sadd.s32 $0x2, s26;
	s24 =	sadd.s32 $0x20, s24;
	s25 =	sadd.s32 $0x20, s25;
	[tilespmem:s28+$0xFFFFFF80] =	vst v1  }
0x191: {  	s21 =	sadd.s32 $0x1, s21  }
0x192: {  	p0 =	sne.s32 s21, $0x32  }
.Ltmp12:
0x193: {  	s22 =	sshll.u32 s22, $0x12;
	(pc) =	sbr.rel @p0 .LBB2_2-.Ltmp12, $4  }
0x194: {  	s22 =	sor.u32 s4, s22  }
0x195: {  	s22 =	sshrl.u32 s22, $0x3  }
0x196: {  	s22 =	sadd.s32 s2, s22  }
0x197: {  	[hbm4b:s22+s9] =	stream.strided.scatter [tilespmem:s15], [sflag:$0x4], $0x2000, s10, s9, $0x38;
	[tilespmem:$0xF600] =	vst v63  }
0x198: {  	_ =	swait.ge [sflag:s16], $0x2000  }
0x199: {  	[sflag:s16] =	ssyncset.done $0x0  }
0x19a: {  	[sflag:s16] =	ssyncadd.s32 $0xFFFFE000  }
0x19b: {  	_ =	swait.ge [sflag:s17], $0x2000  }
0x19c: {  	[sflag:s17] =	ssyncset.done $0x0  }
0x19d: {  	s20 =	sadd.s32 $0x1, s20;
	[sflag:s17] =	ssyncadd.s32 $0xFFFFE000  }
0x19e: {  	p0 =	sne.s32 s20, s7;
	_ =	swait.ge [sflag:s18], $0x2000  }
.Ltmp13:
0x19f: {  	[sflag:s18] =	ssyncset.done $0x0;
	(pc) =	sbr.rel @p0 .LBB2_1-.Ltmp13, $4  }
0x1a0: {  	[sflag:s18] =	ssyncadd.s32 $0xFFFFE000  }
0x1a1: {  	_ =	swait.ge [sflag:s19], $0x2000  }
0x1a2: {  	[sflag:s19] =	ssyncset.done $0x0  }
0x1a3: {  	[sflag:s19] =	ssyncadd.s32 $0xFFFFE000  }
0x1a4: {  	_ =	sfence.sel $0x180000  }
0x1a5: {  	[bflag:$0x0] =	sbarrier.arrive $0xFFFF  }
0x1a6: {  	p0 =	sne.s32 s1, $0x0;
	_ =	strace $0x90000047  }
0x1a7: {  	s0 =	sadd.s32 @!p0 $0x100000, s0;
	[bflag:$0x2] =	sbarrier.arrive $0xFFFF  }
0x1a8: {  	[sflag:s0] =	ssyncadd.tile.s32 @!p0 $0x1;
	_ =	shalt  }
.Lfunc_end2:
_tile_overlayer_lowered:
.L_overlay_start_2:
0x1a9: {  	(tag) =	ssettag $0x2  }
0x1aa: {  	s0 =	rddreg [dreg:$0x0];
	s2 =	stileid.u32  }
0x1ab: {  	s1 =	rddreg [dreg:$0x1];
	p0 =	sne.s32 s2, $0x0  }
0x1ac: {  	s3 =	rddreg [dreg:$0x2];
	[bflag:$0x3] =	sbarrier.arrive $0xFFFF;
	s2 =	simm.s32 @!p0 $0x1C05  }
0x1ad: {  	[timem:s3], [sflag:s2] =	dma.local @!p0 [hbm:s0], s1  }
0x1ae: {  	s0 =	simm.s32 @!p0 $0x5  }
0x1af: {  	_ =	swait.ge @!p0 [sflag:s0], s1  }
0x1b0: {  	s1 =	ssub.s32 @!p0 $0x0, s1;
	[sflag:s0] =	ssyncset.done @!p0 $0x0  }
0x1b1: {  	[sflag:s0] =	ssyncadd.s32 @!p0 s1  }
0x1b2: {  	[bflag:$0x3] =	sbarrier.arrive $0xFFFF  }
0x1b3: {  	_ =	shalt  }

</sc_bundles>
